<compile_context>
chip_gen: v7x
topology: tpu7x:2x2x1
jax: 0.10.2.dev20260603
libtpu: 0.0.44.dev20260713+nightly
codegen_flags: <defaults>
</compile_context>

<pallas_src>
import functools

import jax
import jax.numpy as jnp
from jax import lax
from jax.experimental import pallas as pl
from jax.experimental.pallas import tpu as pltpu
from jax.experimental.pallas import tpu_sc as plsc

_N = 12544
_C = 64
_M = 2205
_K = 5
_BN = 896
_NB = _N // _BN
_NR = 98
_SEL = 250
_SELP = 256
_GB = 1280
_NW = 32
_BPW = _GB // _NW
_GC = 128


def _scores_body(xn_ref, sn_ref, out_ref):
    x = xn_ref[...]
    s = sn_ref[0]
    sim = jnp.dot(x, s, preferred_element_type=jnp.float32)
    v1 = jnp.max(sim, axis=1, keepdims=True)
    e1 = sim == v1
    n1 = jnp.sum(e1.astype(jnp.int32), axis=1, keepdims=True)
    sim = jnp.where(e1, -jnp.inf, sim)
    v2 = jnp.max(sim, axis=1, keepdims=True)
    e2 = sim == v2
    n2 = jnp.sum(e2.astype(jnp.int32), axis=1, keepdims=True)
    sim = jnp.where(e2, -jnp.inf, sim)
    v3 = jnp.max(sim, axis=1, keepdims=True)
    b = jnp.where(n1 >= 2, v1, v2)
    c = jnp.where(n1 >= 3, v1, jnp.where(n1 + n2 >= 3, v2, v3))
    res = (v1 + c) + b
    j = pl.program_id(1)
    col = lax.broadcasted_iota(jnp.int32, (_BN, _K), 1)

    @pl.when(j == 0)
    def _init():
        out_ref[...] = jnp.broadcast_to(res, (_BN, _K))

    @pl.when(j > 0)
    def _update():
        out_ref[...] = jnp.where(col == j, res, out_ref[...])


def _select_body(s0, s1, s2, s3, s4, idx_ref):
    srefs = (s0, s1, s2, s3, s4)
    rid = lax.broadcasted_iota(jnp.int32, (_NR, 128), 0)
    cid = lax.broadcasted_iota(jnp.int32, (_NR, 128), 1)
    nid = rid * 128 + cid
    lane = lax.broadcasted_iota(jnp.int32, (1, 128), 1)
    arow = lax.broadcasted_iota(jnp.int32, (2, 128), 0)
    acol = lax.broadcasted_iota(jnp.int32, (2, 128), 1)

    def body(t, carry):
        cmaxs, accs = carry
        tr = t // 128
        tc = t - tr * 128
        hit = (arow == tr) & (acol == tc)
        new_cmaxs, new_accs = [], []
        for j in range(_K):
            sv = srefs[j][...]
            vmax = jnp.max(cmaxs[j], axis=1, keepdims=True)
            cand = jnp.where(sv == vmax, nid, _N)
            imin = jnp.min(cand, axis=(0, 1), keepdims=True)
            imin = imin.reshape(1, 1)
            c = imin - (imin // 128) * 128
            snew = jnp.where(nid == imin, -jnp.inf, sv)
            srefs[j][...] = snew
            colmax = jnp.max(
                jnp.where(cid == c, snew, -jnp.inf), axis=(0, 1),
                keepdims=True).reshape(1, 1)
            new_cmaxs.append(jnp.where(lane == c, colmax, cmaxs[j]))
            new_accs.append(jnp.where(hit, imin, accs[j]))
        return (tuple(new_cmaxs), tuple(new_accs))

    init_cmaxs = tuple(
        jnp.max(srefs[j][...], axis=0, keepdims=True) for j in range(_K))
    init_accs = tuple(jnp.zeros((2, 128), jnp.int32) for _ in range(_K))
    _, accs = lax.fori_loop(0, _SEL, body, (init_cmaxs, init_accs))
    for j in range(_K):
        idx_ref[j] = accs[j]


@functools.cache
def _make_sc_gather():
    mesh = plsc.VectorSubcoreMesh(core_axis_name="c", subcore_axis_name="s")

    @functools.partial(
        pl.kernel,
        mesh=mesh,
        out_type=jax.ShapeDtypeStruct((_GB, _GC), jnp.float32),
        scratch_types=[
            pltpu.VMEM((_BPW,), jnp.int32),
            pltpu.VMEM((_BPW, _GC), jnp.float32),
            pltpu.SemaphoreType.DMA,
        ],
    )
    def _sc_gather(table_hbm, idx_hbm, out_hbm, idx_v, rows_v, sem):
        wid = lax.axis_index("s") * 2 + lax.axis_index("c")
        base = wid * _BPW
        pltpu.sync_copy(idx_hbm.at[pl.ds(base, _BPW)], idx_v)
        pltpu.async_copy(table_hbm.at[idx_v], rows_v, sem).wait()
        pltpu.sync_copy(rows_v, out_hbm.at[pl.ds(base, _BPW)])

    return _sc_gather


def kernel(x1, x2):
    B, C, h, w = x1.shape
    K = x2.shape[0]
    raw_t = jnp.transpose(x1, (1, 0, 2, 3)).reshape(C, -1).T
    norm = jnp.linalg.norm(raw_t, ord=2, axis=1, keepdims=True)
    xn = raw_t / norm
    sn = jnp.stack(
        [x2[j] / jnp.linalg.norm(x2[j], ord=2, axis=0, keepdims=True)
         for j in range(K)]
    )

    scores_t = pl.pallas_call(
        _scores_body,
        grid=(_NB, _K),
        in_specs=[
            pl.BlockSpec((_BN, _C), lambda nb, j: (nb, 0)),
            pl.BlockSpec((1, _C, _M), lambda nb, j: (j, 0, 0)),
        ],
        out_specs=pl.BlockSpec((_BN, _K), lambda nb, j: (nb, 0)),
        out_shape=jax.ShapeDtypeStruct((_N, _K), jnp.float32),
    )(xn, sn)

    scores = scores_t.T.reshape(_K, _NR, 128)
    idx = pl.pallas_call(
        _select_body,
        grid=(1,),
        in_specs=[pl.BlockSpec((_NR, 128), lambda i: (0, 0))] * _K,
        out_specs=pl.BlockSpec((_K, 2, 128), lambda i: (0, 0, 0)),
        out_shape=jax.ShapeDtypeStruct((_K, 2, 128), jnp.int32),
    )(*[scores[j] for j in range(_K)])

    flat_idx = idx.reshape(_K, _SELP)[:, :_SEL].reshape(-1)
    flat_idx = jnp.concatenate(
        [flat_idx, jnp.zeros((_GB - _K * _SEL,), jnp.int32)]
    )
    table = jnp.pad(raw_t, ((0, 0), (0, _GC - _C)))
    rows = _make_sc_gather()(table, flat_idx)
    sel = rows[: _K * _SEL, :_C].reshape(_K, _SEL, C).transpose(0, 2, 1)
    return jnp.concatenate([x2, sel], axis=2)

# --- scband reference (transcript-rebuilt; emitter-appended) ---
"""Pipeline reference for scband-support-aug-31937376813210 (READ-ONLY COPY).

The authoritative reference and input builder live on the scoring server;
editing this copy changes nothing except your own understanding.
"""

import jax, jax.numpy as jnp
import numpy as np

NEIGHBOR_K = 3
SELECT_RATIO = 0.02


def setup_inputs(seed: int = 0) -> dict:
    key = jax.random.key(seed)
    k1, k2 = jax.random.split(key)
    x1 = jax.random.normal(k1, (64, 64, 14, 14), dtype=jnp.float32)
    x2 = jax.random.normal(k2, (5, 64, 2205), dtype=jnp.float32)
    return {"x1": x1, "x2": x2}


def reference(x1, x2):
    # x1: [B, C, h, w] unlabeled feature maps
    # x2: [K, C, M] stack of per-class support banks (original torch code uses a
    #     Python list of [C, M] tensors; all outputs share the same augmented
    #     width, so we represent the list as a stacked array)
    B, C, h, w = x1.shape
    unlabel_sam_raw = jnp.transpose(x1, (1, 0, 2, 3)).reshape(C, -1)  # [C, N]
    unlabel_sam = unlabel_sam_raw.T  # [N, C]
    unlabel_sam_norm = jnp.linalg.norm(unlabel_sam, ord=2, axis=1, keepdims=True)
    unlabel_sam = unlabel_sam / unlabel_sam_norm
    outs = []
    for j in range(x2.shape[0]):
        support_set_sam = x2[j]  # [C, M]
        support_set_sam_norm = jnp.linalg.norm(support_set_sam, ord=2, axis=0, keepdims=True)
        support_set_sam_n = support_set_sam / support_set_sam_norm
        innerproduct_matrix = unlabel_sam @ support_set_sam_n  # [N, M]
        topk_value, topk_index = jax.lax.top_k(innerproduct_matrix, NEIGHBOR_K)  # [N, k]
        patch_to_class_sim = jnp.sum(topk_value, axis=1)  # [N]
        select_num = int(patch_to_class_sim.shape[0] * SELECT_RATIO)
        _, select_index = jax.lax.top_k(patch_to_class_sim, select_num)  # [select_num]
        augmented = jnp.concatenate(
            (x2[j], jnp.take(unlabel_sam_raw, select_index, axis=1)), axis=1
        )  # [C, M + select_num]
        outs.append(augmented)
    return jnp.stack(outs, axis=0)  # [K, C, M + select_num]

if __name__ == "__main__":
    import jax
    _d = setup_inputs()
    print(jax.jit(kernel)(*tuple(_d.values())))

</pallas_src>

<mosaic_0001>
#map = affine_map<(d0, d1) -> (0, 0)>
#map1 = affine_map<(d0, d1) -> (0)>
module attributes {stable_mosaic.version = 14 : i64} {
  func.func @_sc_gather(%arg0: i32, %arg1: i32, %arg2: memref<12544x128xf32, #tpu.memory_space<hbm>>, %arg3: memref<1280xi32, #tpu.memory_space<hbm>>, %arg4: memref<1280x128xf32, #tpu.memory_space<hbm>>, %arg5: memref<40xi32, #tpu.memory_space<vmem>>, %arg6: memref<40x128xf32, #tpu.memory_space<vmem>>, %arg7: memref<!tpu.dma_semaphore, #tpu.memory_space<semaphore_mem>>) attributes {dimension_semantics = [#tpu.dimension_semantics<core_parallel>, #tpu.dimension_semantics<subcore_parallel>], iteration_bounds = array<i64: 2, 16>, scalar_prefetch = 0 : i64, scratch_operands = 3 : i64, tpu.core_type = #tpu.core_type<sc_vector_subcore>, window_params = [{transform_indices = #map}, {transform_indices = #map1}, {transform_indices = #map}]} {
    %mul3A = arith.constant 2 : i32
    %mul3A_0 = arith.muli %arg1, %mul3A : i32
    %add3A = arith.addi %mul3A_0, %arg0 : i32
    %mul3A_1 = arith.constant 40 : i32
    %mul3A_2 = arith.muli %add3A, %mul3A_1 : i32
    "tpu.region"() ({
      %run_scoped3A = tpu.sem_alloc : memref<!tpu.dma_semaphore, #tpu.memory_space<semaphore_mem>>
      %dma_start3A_7 = tpu.memref_slice %arg3[%mul3A_2] : memref<1280xi32, #tpu.memory_space<hbm>> -> memref<40xi32, #tpu.memory_space<hbm>>
      %dma_start3A_8 = tpu.memref_slice %arg3[%mul3A_2] : memref<1280xi32, #tpu.memory_space<hbm>> -> memref<40xi32, #tpu.memory_space<hbm>>
      tpu.enqueue_dma source(%dma_start3A_8 : memref<40xi32, #tpu.memory_space<hbm>>) target(%arg5 : memref<40xi32, #tpu.memory_space<vmem>>) target_semaphore(%run_scoped3A : memref<!tpu.dma_semaphore, #tpu.memory_space<semaphore_mem>>)
      %dma_wait3A_9 = tpu.memref_slice %arg3[%mul3A_2] : memref<1280xi32, #tpu.memory_space<hbm>> -> memref<40xi32, #tpu.memory_space<hbm>>
      %dma_wait3A_10 = tpu.memref_slice %arg3[%mul3A_2] : memref<1280xi32, #tpu.memory_space<hbm>> -> memref<40xi32, #tpu.memory_space<hbm>>
      tpu.wait_dma2 semaphore(%run_scoped3A : memref<!tpu.dma_semaphore, #tpu.memory_space<semaphore_mem>>) src(%dma_wait3A_10 : memref<40xi32, #tpu.memory_space<hbm>>) dst(%arg5 : memref<40xi32, #tpu.memory_space<vmem>>)
      tpu.yield
    }) : () -> ()
    %dma_start3A = arith.constant 0 : i32
    %dma_start3A_3 = arith.constant 0 : i32
    %dma_start3A_4 = tpu.memref_slice %arg2[%dma_start3A, %dma_start3A_3] : memref<12544x128xf32, #tpu.memory_space<hbm>> -> memref<12544x128xf32, #tpu.memory_space<hbm>>
    tpu.enqueue_indirect_dma source(%dma_start3A_4 : memref<12544x128xf32, #tpu.memory_space<hbm>>) target(%arg6 : memref<40x128xf32, #tpu.memory_space<vmem>>) offsets(%arg5 : memref<40xi32, #tpu.memory_space<vmem>>) semaphore(%arg7 : memref<!tpu.dma_semaphore, #tpu.memory_space<semaphore_mem>>)
    %dma_wait3A = arith.constant 0 : i32
    %dma_wait3A_5 = arith.constant 0 : i32
    %dma_wait3A_6 = tpu.memref_slice %arg2[%dma_wait3A, %dma_wait3A_5] : memref<12544x128xf32, #tpu.memory_space<hbm>> -> memref<12544x128xf32, #tpu.memory_space<hbm>>
    tpu.wait_indirect_dma semaphore(%arg7 : memref<!tpu.dma_semaphore, #tpu.memory_space<semaphore_mem>>) src(%dma_wait3A_6 : memref<12544x128xf32, #tpu.memory_space<hbm>>) dst(%arg6 : memref<40x128xf32, #tpu.memory_space<vmem>>)
    "tpu.region"() ({
      %run_scoped3A = tpu.sem_alloc : memref<!tpu.dma_semaphore, #tpu.memory_space<semaphore_mem>>
      %dma_start3A_7 = arith.constant 0 : i32
      %dma_start3A_8 = tpu.memref_slice %arg4[%mul3A_2, %dma_start3A_7] : memref<1280x128xf32, #tpu.memory_space<hbm>> -> memref<40x128xf32, #tpu.memory_space<hbm>>
      %dma_start3A_9 = arith.constant 0 : i32
      %dma_start3A_10 = tpu.memref_slice %arg4[%mul3A_2, %dma_start3A_9] : memref<1280x128xf32, #tpu.memory_space<hbm>> -> memref<40x128xf32, #tpu.memory_space<hbm>>
      tpu.enqueue_dma source(%arg6 : memref<40x128xf32, #tpu.memory_space<vmem>>) target(%dma_start3A_10 : memref<40x128xf32, #tpu.memory_space<hbm>>) target_semaphore(%run_scoped3A : memref<!tpu.dma_semaphore, #tpu.memory_space<semaphore_mem>>)
      %dma_wait3A_11 = arith.constant 0 : i32
      %dma_wait3A_12 = tpu.memref_slice %arg4[%mul3A_2, %dma_wait3A_11] : memref<1280x128xf32, #tpu.memory_space<hbm>> -> memref<40x128xf32, #tpu.memory_space<hbm>>
      %dma_wait3A_13 = arith.constant 0 : i32
      %dma_wait3A_14 = tpu.memref_slice %arg4[%mul3A_2, %dma_wait3A_13] : memref<1280x128xf32, #tpu.memory_space<hbm>> -> memref<40x128xf32, #tpu.memory_space<hbm>>
      tpu.wait_dma2 semaphore(%run_scoped3A : memref<!tpu.dma_semaphore, #tpu.memory_space<semaphore_mem>>) src(%arg6 : memref<40x128xf32, #tpu.memory_space<vmem>>) dst(%dma_wait3A_14 : memref<40x128xf32, #tpu.memory_space<hbm>>)
      tpu.yield
    }) : () -> ()
    return
  }
}

module attributes {stable_mosaic.version = 14 : i64} {
  func.func @_scores_body(%arg0: i32, %arg1: i32, %arg2: memref<896x64xf32, #tpu.memory_space<vmem>>, %arg3: memref<1x64x2205xf32, #tpu.memory_space<vmem>>, %arg4: memref<896x5xf32, #tpu.memory_space<vmem>>) attributes {dimension_semantics = [#tpu.dimension_semantics<arbitrary>, #tpu.dimension_semantics<arbitrary>], iteration_bounds = array<i64: 14, 5>, scalar_prefetch = 0 : i64, scratch_operands = 0 : i64, tpu.core_type = #tpu.core_type<tc>, window_params = [{transform_indices = @transform_0, window_bounds = array<i64: 896, 64>}, {transform_indices = @transform_1, window_bounds = array<i64: 1, 64, 2205>}, {transform_indices = @transform_2, window_bounds = array<i64: 896, 5>}]} {
    %get3A = arith.constant 0 : index
    %get3A_0 = arith.constant 0 : index
    %get3A_1 = vector.load %arg2[%get3A, %get3A_0] : memref<896x64xf32, #tpu.memory_space<vmem>>, vector<896x64xf32>
    %get3A_2 = arith.constant 0 : index
    %get3A_3 = arith.constant 0 : index
    %get3A_4 = arith.constant 0 : index
    %get3A_5 = vector.load %arg3[%get3A_2, %get3A_3, %get3A_4] : memref<1x64x2205xf32, #tpu.memory_space<vmem>>, vector<1x64x2205xf32>
    %get3A_6 = vector.shape_cast %get3A_5 : vector<1x64x2205xf32> to vector<64x2205xf32>
    %dot_general3A = arith.constant dense<0.000000e+00> : vector<896x2205xf32>
    %dot_general3A_7 = tpu.matmul %get3A_1, %get3A_6, %dot_general3A {dimension_numbers = #tpu.dot_dimension_numbers<[1], [0], [0], [1], [0, 0, 1, 1], [], []>, transpose_lhs_hint = false} : vector<896x64xf32>, vector<64x2205xf32>, vector<896x2205xf32> -> vector<896x2205xf32>
    %reduce_max3A = arith.constant dense<0xFF800000> : vector<896xf32>
    %reduce_max3A_8 = vector.multi_reduction <maximumf>, %dot_general3A_7, %reduce_max3A [1] : vector<896x2205xf32> to vector<896xf32>
    %broadcast_in_dim3A = vector.shape_cast %reduce_max3A_8 : vector<896xf32> to vector<896x1xf32>
    %eq3A = vector.broadcast %broadcast_in_dim3A : vector<896x1xf32> to vector<896x2205xf32>
    %eq3A_9 = arith.cmpf oeq, %dot_general3A_7, %eq3A : vector<896x2205xf32>
    %convert_element_type3A = arith.extui %eq3A_9 : vector<896x2205xi1> to vector<896x2205xi32>
    %reduce_sum3A = arith.constant dense<0> : vector<896xi32>
    %reduce_sum3A_10 = vector.multi_reduction <add>, %convert_element_type3A, %reduce_sum3A [1] : vector<896x2205xi32> to vector<896xi32>
    %broadcast_in_dim3A_11 = vector.shape_cast %reduce_sum3A_10 : vector<896xi32> to vector<896x1xi32>
    %jit3A = arith.constant 0xFF800000 : f32
    %broadcast_in_dim3A_12 = vector.broadcast %jit3A : f32 to vector<896x2205xf32>
    %select_n3A = arith.select %eq3A_9, %broadcast_in_dim3A_12, %dot_general3A_7 : vector<896x2205xi1>, vector<896x2205xf32>
    %reduce_max3A_13 = arith.constant dense<0xFF800000> : vector<896xf32>
    %reduce_max3A_14 = vector.multi_reduction <maximumf>, %select_n3A, %reduce_max3A_13 [1] : vector<896x2205xf32> to vector<896xf32>
    %broadcast_in_dim3A_15 = vector.shape_cast %reduce_max3A_14 : vector<896xf32> to vector<896x1xf32>
    %eq3A_16 = vector.broadcast %broadcast_in_dim3A_15 : vector<896x1xf32> to vector<896x2205xf32>
    %eq3A_17 = arith.cmpf oeq, %select_n3A, %eq3A_16 : vector<896x2205xf32>
    %convert_element_type3A_18 = arith.extui %eq3A_17 : vector<896x2205xi1> to vector<896x2205xi32>
    %reduce_sum3A_19 = arith.constant dense<0> : vector<896xi32>
    %reduce_sum3A_20 = vector.multi_reduction <add>, %convert_element_type3A_18, %reduce_sum3A_19 [1] : vector<896x2205xi32> to vector<896xi32>
    %broadcast_in_dim3A_21 = vector.shape_cast %reduce_sum3A_20 : vector<896xi32> to vector<896x1xi32>
    %jit3A_22 = arith.constant 0xFF800000 : f32
    %broadcast_in_dim3A_23 = vector.broadcast %jit3A_22 : f32 to vector<896x2205xf32>
    %select_n3A_24 = arith.select %eq3A_17, %broadcast_in_dim3A_23, %select_n3A : vector<896x2205xi1>, vector<896x2205xf32>
    %reduce_max3A_25 = arith.constant dense<0xFF800000> : vector<896xf32>
    %reduce_max3A_26 = vector.multi_reduction <maximumf>, %select_n3A_24, %reduce_max3A_25 [1] : vector<896x2205xf32> to vector<896xf32>
    %broadcast_in_dim3A_27 = vector.shape_cast %reduce_max3A_26 : vector<896xf32> to vector<896x1xf32>
    %ge3A = arith.constant 2 : i32
    %ge3A_28 = vector.broadcast %ge3A : i32 to vector<896x1xi32>
    %ge3A_29 = arith.cmpi sge, %broadcast_in_dim3A_11, %ge3A_28 : vector<896x1xi32>
    %select_n3A_30 = arith.select %ge3A_29, %broadcast_in_dim3A, %broadcast_in_dim3A_15 : vector<896x1xi1>, vector<896x1xf32>
    %ge3A_31 = arith.constant 3 : i32
    %ge3A_32 = vector.broadcast %ge3A_31 : i32 to vector<896x1xi32>
    %ge3A_33 = arith.cmpi sge, %broadcast_in_dim3A_11, %ge3A_32 : vector<896x1xi32>
    %add3A = arith.addi %broadcast_in_dim3A_11, %broadcast_in_dim3A_21 : vector<896x1xi32>
    %ge3A_34 = arith.constant 3 : i32
    %ge3A_35 = vector.broadcast %ge3A_34 : i32 to vector<896x1xi32>
    %ge3A_36 = arith.cmpi sge, %add3A, %ge3A_35 : vector<896x1xi32>
    %select_n3A_37 = arith.select %ge3A_36, %broadcast_in_dim3A_15, %broadcast_in_dim3A_27 : vector<896x1xi1>, vector<896x1xf32>
    %select_n3A_38 = arith.select %ge3A_33, %broadcast_in_dim3A, %select_n3A_37 : vector<896x1xi1>, vector<896x1xf32>
    %add3A_39 = arith.addf %broadcast_in_dim3A, %select_n3A_38 : vector<896x1xf32>
    %add3A_40 = arith.addf %add3A_39, %select_n3A_30 : vector<896x1xf32>
    %iota3A = tpu.iota {dimensions = array<i32: 1>} : vector<896x5xi32>
    %eq3A_41 = arith.constant 0 : i32
    %eq3A_42 = arith.cmpi eq, %arg1, %eq3A_41 : i32
    %convert_element_type3A_43 = arith.extui %eq3A_42 : i1 to i32
    %cond3A = arith.constant 0 : i32
    %cond3A_44 = arith.cmpi ne, %convert_element_type3A_43, %cond3A : i32
    scf.if %cond3A_44 {
      %broadcast_in_dim3A_49 = vector.shape_cast %add3A_40 : vector<896x1xf32> to vector<896x1xf32>
      %broadcast_in_dim3A_50 = vector.broadcast %broadcast_in_dim3A_49 : vector<896x1xf32> to vector<896x5xf32>
      %swap3A = arith.constant 0 : index
      %swap3A_51 = arith.constant 0 : index
      %swap3A_52 = vector.load %arg4[%swap3A, %swap3A_51] : memref<896x5xf32, #tpu.memory_space<vmem>>, vector<896x5xf32>
      tpu.vector_store %arg4[%swap3A, %swap3A_51], %broadcast_in_dim3A_50 {strides = array<i32>} : memref<896x5xf32, #tpu.memory_space<vmem>>, vector<896x5xf32>,
    } else {
    }
    %gt3A = arith.constant 0 : i32
    %gt3A_45 = arith.cmpi sgt, %arg1, %gt3A : i32
    %convert_element_type3A_46 = arith.extui %gt3A_45 : i1 to i32
    %cond3A_47 = arith.constant 0 : i32
    %cond3A_48 = arith.cmpi ne, %convert_element_type3A_46, %cond3A_47 : i32
    scf.if %cond3A_48 {
      %eq3A_49 = vector.broadcast %arg1 : i32 to vector<896x5xi32>
      %eq3A_50 = arith.cmpi eq, %iota3A, %eq3A_49 : vector<896x5xi32>
      %get3A_51 = arith.constant 0 : index
      %get3A_52 = arith.constant 0 : index
      %get3A_53 = vector.load %arg4[%get3A_51, %get3A_52] : memref<896x5xf32, #tpu.memory_space<vmem>>, vector<896x5xf32>
      %broadcast_in_dim3A_54 = vector.shape_cast %add3A_40 : vector<896x1xf32> to vector<896x1xf32>
      %broadcast_in_dim3A_55 = vector.broadcast %broadcast_in_dim3A_54 : vector<896x1xf32> to vector<896x5xf32>
      %select_n3A_56 = arith.select %eq3A_50, %broadcast_in_dim3A_55, %get3A_53 : vector<896x5xi1>, vector<896x5xf32>
      %swap3A = arith.constant 0 : index
      %swap3A_57 = arith.constant 0 : index
      %swap3A_58 = vector.load %arg4[%swap3A, %swap3A_57] : memref<896x5xf32, #tpu.memory_space<vmem>>, vector<896x5xf32>
      tpu.vector_store %arg4[%swap3A, %swap3A_57], %select_n3A_56 {strides = array<i32>} : memref<896x5xf32, #tpu.memory_space<vmem>>, vector<896x5xf32>,
    } else {
    }
    return
  }
  func.func @transform_0(%arg0: i32, %arg1: i32) -> (i32, i32) {
    %c0_i32 = arith.constant 0 : i32
    %c0_i32_0 = arith.constant 0 : i32
    return %arg0, %c0_i32 : i32, i32
  }
  func.func @transform_1(%arg0: i32, %arg1: i32) -> (i32, i32, i32) {
    %c0_i32 = arith.constant 0 : i32
    %c0_i32_0 = arith.constant 0 : i32
    %c0_i32_1 = arith.constant 0 : i32
    return %arg1, %c0_i32, %c0_i32_0 : i32, i32, i32
  }
  func.func @transform_2(%arg0: i32, %arg1: i32) -> (i32, i32) {
    %c0_i32 = arith.constant 0 : i32
    %c0_i32_0 = arith.constant 0 : i32
    return %arg0, %c0_i32 : i32, i32
  }
}

module attributes {stable_mosaic.version = 14 : i64} {
  func.func @_select_body(%arg0: i32, %arg1: memref<98x128xf32, #tpu.memory_space<vmem>>, %arg2: memref<98x128xf32, #tpu.memory_space<vmem>>, %arg3: memref<98x128xf32, #tpu.memory_space<vmem>>, %arg4: memref<98x128xf32, #tpu.memory_space<vmem>>, %arg5: memref<98x128xf32, #tpu.memory_space<vmem>>, %arg6: memref<5x2x128xi32, #tpu.memory_space<vmem>>) attributes {dimension_semantics = [#tpu.dimension_semantics<arbitrary>], iteration_bounds = array<i64: 1>, scalar_prefetch = 0 : i64, scratch_operands = 0 : i64, tpu.core_type = #tpu.core_type<tc>, window_params = [{pipeline_mode = #tpu.pipeline_mode<synchronous>, transform_indices = @transform_0, window_bounds = array<i64: 98, 128>}, {pipeline_mode = #tpu.pipeline_mode<synchronous>, transform_indices = @transform_1, window_bounds = array<i64: 98, 128>}, {pipeline_mode = #tpu.pipeline_mode<synchronous>, transform_indices = @transform_2, window_bounds = array<i64: 98, 128>}, {pipeline_mode = #tpu.pipeline_mode<synchronous>, transform_indices = @transform_3, window_bounds = array<i64: 98, 128>}, {pipeline_mode = #tpu.pipeline_mode<synchronous>, transform_indices = @transform_4, window_bounds = array<i64: 98, 128>}, {pipeline_mode = #tpu.pipeline_mode<synchronous>, transform_indices = @transform_5, window_bounds = array<i64: 5, 2, 128>}]} {
    %iota3A = tpu.iota {dimensions = array<i32: 0>} : vector<98x128xi32>
    %iota3A_0 = tpu.iota {dimensions = array<i32: 1>} : vector<98x128xi32>
    %mul3A = arith.constant 128 : i32
    %mul3A_1 = vector.broadcast %mul3A : i32 to vector<98x128xi32>
    %mul3A_2 = arith.muli %iota3A, %mul3A_1 : vector<98x128xi32>
    %add3A = arith.addi %mul3A_2, %iota3A_0 : vector<98x128xi32>
    %iota3A_3 = tpu.iota {dimensions = array<i32: 1>} : vector<1x128xi32>
    %iota3A_4 = tpu.iota {dimensions = array<i32: 0>} : vector<2x128xi32>
    %iota3A_5 = tpu.iota {dimensions = array<i32: 1>} : vector<2x128xi32>
    %get3A = arith.constant 0 : index
    %get3A_6 = arith.constant 0 : index
    %get3A_7 = vector.load %arg1[%get3A, %get3A_6] : memref<98x128xf32, #tpu.memory_space<vmem>>, vector<98x128xf32>
    %reduce_max3A = arith.constant dense<0xFF800000> : vector<128xf32>
    %reduce_max3A_8 = vector.multi_reduction <maximumf>, %get3A_7, %reduce_max3A [0] : vector<98x128xf32> to vector<128xf32>
    %broadcast_in_dim3A = vector.shape_cast %reduce_max3A_8 : vector<128xf32> to vector<1x128xf32>
    %get3A_9 = arith.constant 0 : index
    %get3A_10 = arith.constant 0 : index
    %get3A_11 = vector.load %arg2[%get3A_9, %get3A_10] : memref<98x128xf32, #tpu.memory_space<vmem>>, vector<98x128xf32>
    %reduce_max3A_12 = arith.constant dense<0xFF800000> : vector<128xf32>
    %reduce_max3A_13 = vector.multi_reduction <maximumf>, %get3A_11, %reduce_max3A_12 [0] : vector<98x128xf32> to vector<128xf32>
    %broadcast_in_dim3A_14 = vector.shape_cast %reduce_max3A_13 : vector<128xf32> to vector<1x128xf32>
    %get3A_15 = arith.constant 0 : index
    %get3A_16 = arith.constant 0 : index
    %get3A_17 = vector.load %arg3[%get3A_15, %get3A_16] : memref<98x128xf32, #tpu.memory_space<vmem>>, vector<98x128xf32>
    %reduce_max3A_18 = arith.constant dense<0xFF800000> : vector<128xf32>
    %reduce_max3A_19 = vector.multi_reduction <maximumf>, %get3A_17, %reduce_max3A_18 [0] : vector<98x128xf32> to vector<128xf32>
    %broadcast_in_dim3A_20 = vector.shape_cast %reduce_max3A_19 : vector<128xf32> to vector<1x128xf32>
    %get3A_21 = arith.constant 0 : index
    %get3A_22 = arith.constant 0 : index
    %get3A_23 = vector.load %arg4[%get3A_21, %get3A_22] : memref<98x128xf32, #tpu.memory_space<vmem>>, vector<98x128xf32>
    %reduce_max3A_24 = arith.constant dense<0xFF800000> : vector<128xf32>
    %reduce_max3A_25 = vector.multi_reduction <maximumf>, %get3A_23, %reduce_max3A_24 [0] : vector<98x128xf32> to vector<128xf32>
    %broadcast_in_dim3A_26 = vector.shape_cast %reduce_max3A_25 : vector<128xf32> to vector<1x128xf32>
    %get3A_27 = arith.constant 0 : index
    %get3A_28 = arith.constant 0 : index
    %get3A_29 = vector.load %arg5[%get3A_27, %get3A_28] : memref<98x128xf32, #tpu.memory_space<vmem>>, vector<98x128xf32>
    %reduce_max3A_30 = arith.constant dense<0xFF800000> : vector<128xf32>
    %reduce_max3A_31 = vector.multi_reduction <maximumf>, %get3A_29, %reduce_max3A_30 [0] : vector<98x128xf32> to vector<128xf32>
    %broadcast_in_dim3A_32 = vector.shape_cast %reduce_max3A_31 : vector<128xf32> to vector<1x128xf32>
    %broadcast_in_dim3A_33 = arith.constant 0 : i32
    %broadcast_in_dim3A_34 = vector.broadcast %broadcast_in_dim3A_33 : i32 to vector<2x128xi32>
    %broadcast_in_dim3A_35 = arith.constant 0 : i32
    %broadcast_in_dim3A_36 = vector.broadcast %broadcast_in_dim3A_35 : i32 to vector<2x128xi32>
    %broadcast_in_dim3A_37 = arith.constant 0 : i32
    %broadcast_in_dim3A_38 = vector.broadcast %broadcast_in_dim3A_37 : i32 to vector<2x128xi32>
    %broadcast_in_dim3A_39 = arith.constant 0 : i32
    %broadcast_in_dim3A_40 = vector.broadcast %broadcast_in_dim3A_39 : i32 to vector<2x128xi32>
    %broadcast_in_dim3A_41 = arith.constant 0 : i32
    %broadcast_in_dim3A_42 = vector.broadcast %broadcast_in_dim3A_41 : i32 to vector<2x128xi32>
    %scan3A = arith.constant 0 : i32
    %scan3A_43 = arith.constant 250 : i32
    %scan3A_44 = arith.addi %scan3A, %scan3A_43 : i32
    %scan3A_45 = arith.constant 1 : i32
    %scan3A_46:10 = scf.for %scan3A_77 = %scan3A to %scan3A_44 step %scan3A_45 iter_args(%scan3A_78 = %broadcast_in_dim3A, %scan3A_79 = %broadcast_in_dim3A_14, %scan3A_80 = %broadcast_in_dim3A_20, %scan3A_81 = %broadcast_in_dim3A_26, %scan3A_82 = %broadcast_in_dim3A_32, %scan3A_83 = %broadcast_in_dim3A_34, %scan3A_84 = %broadcast_in_dim3A_36, %scan3A_85 = %broadcast_in_dim3A_38, %scan3A_86 = %broadcast_in_dim3A_40, %scan3A_87 = %broadcast_in_dim3A_42) -> (vector<1x128xf32>, vector<1x128xf32>, vector<1x128xf32>, vector<1x128xf32>, vector<1x128xf32>, vector<2x128xi32>, vector<2x128xi32>, vector<2x128xi32>, vector<2x128xi32>, vector<2x128xi32>)  : i32 {
      %jit3A = arith.constant 128 : i32
      %div3A = arith.divsi %scan3A_77, %jit3A : i32
      %sign3A = arith.constant 0 : i32
      %sign3A_88 = arith.cmpi sgt, %scan3A_77, %sign3A : i32
      %sign3A_89 = arith.extui %sign3A_88 : i1 to i32
      %sign3A_90 = arith.constant 0 : i32
      %sign3A_91 = arith.cmpi slt, %scan3A_77, %sign3A_90 : i32
      %sign3A_92 = arith.extui %sign3A_91 : i1 to i32
      %sign3A_93 = arith.subi %sign3A_89, %sign3A_92 : i32
      %sign3A_94 = arith.constant 0 : i32
      %sign3A_95 = arith.cmpi sgt, %jit3A, %sign3A_94 : i32
      %sign3A_96 = arith.extui %sign3A_95 : i1 to i32
      %sign3A_97 = arith.constant 0 : i32
      %sign3A_98 = arith.cmpi slt, %jit3A, %sign3A_97 : i32
      %sign3A_99 = arith.extui %sign3A_98 : i1 to i32
      %sign3A_100 = arith.subi %sign3A_96, %sign3A_99 : i32
      %ne3A = arith.cmpi ne, %sign3A_93, %sign3A_100 : i32
      %rem3A = arith.remsi %scan3A_77, %jit3A : i32
      %ne3A_101 = arith.constant 0 : i32
      %ne3A_102 = arith.cmpi ne, %rem3A, %ne3A_101 : i32
      %and3A = arith.andi %ne3A, %ne3A_102 : i1
      %sub3A = arith.constant 1 : i32
      %sub3A_103 = arith.subi %div3A, %sub3A : i32
      %select_n3A = arith.select %and3A, %sub3A_103, %div3A : i32
      %mul3A_104 = arith.constant 128 : i32
      %mul3A_105 = arith.muli %select_n3A, %mul3A_104 : i32
      %sub3A_106 = arith.subi %scan3A_77, %mul3A_105 : i32
      %eq3A = vector.broadcast %select_n3A : i32 to vector<2x128xi32>
      %eq3A_107 = arith.cmpi eq, %iota3A_4, %eq3A : vector<2x128xi32>
      %eq3A_108 = vector.broadcast %sub3A_106 : i32 to vector<2x128xi32>
      %eq3A_109 = arith.cmpi eq, %iota3A_5, %eq3A_108 : vector<2x128xi32>
      %and3A_110 = arith.andi %eq3A_107, %eq3A_109 : vector<2x128xi1>
      %get3A_111 = arith.constant 0 : index
      %get3A_112 = arith.constant 0 : index
      %get3A_113 = vector.load %arg1[%get3A_111, %get3A_112] : memref<98x128xf32, #tpu.memory_space<vmem>>, vector<98x128xf32>
      %reduce_max3A_114 = arith.constant dense<0xFF800000> : vector<1xf32>
      %reduce_max3A_115 = vector.multi_reduction <maximumf>, %scan3A_78, %reduce_max3A_114 [1] : vector<1x128xf32> to vector<1xf32>
      %broadcast_in_dim3A_116 = vector.shape_cast %reduce_max3A_115 : vector<1xf32> to vector<1x1xf32>
      %eq3A_117 = vector.broadcast %broadcast_in_dim3A_116 : vector<1x1xf32> to vector<98x128xf32>
      %eq3A_118 = arith.cmpf oeq, %get3A_113, %eq3A_117 : vector<98x128xf32>
      %jit3A_119 = arith.constant 12544 : i32
      %broadcast_in_dim3A_120 = vector.broadcast %jit3A_119 : i32 to vector<98x128xi32>
      %select_n3A_121 = arith.select %eq3A_118, %add3A, %broadcast_in_dim3A_120 : vector<98x128xi1>, vector<98x128xi32>
      %reduce_min3A = vector.shape_cast %select_n3A_121 : vector<98x128xi32> to vector<1x98x128xi32>
      %reduce_min3A_122 = arith.constant dense<2147483647> : vector<1xi32>
      %reduce_min3A_123 = vector.multi_reduction <minsi>, %reduce_min3A, %reduce_min3A_122 [1, 2] : vector<1x98x128xi32> to vector<1xi32>
      %reduce_min3A_124 = vector.shape_cast %reduce_min3A_123 : vector<1xi32> to vector<1x1x1xi32>
      %reduce_min3A_125 = vector.extract %reduce_min3A_124[0, 0, 0] : i32 from vector<1x1x1xi32>
      %broadcast_in_dim3A_126 = vector.broadcast %reduce_min3A_125 : i32 to vector<1x1xi32>
      %jit3A_127 = arith.constant 128 : i32
      %div3A_128 = vector.broadcast %jit3A_127 : i32 to vector<1x1xi32>
      %div3A_129 = arith.divsi %broadcast_in_dim3A_126, %div3A_128 : vector<1x1xi32>
      %sign3A_130 = arith.constant 0 : i32
      %sign3A_131 = vector.broadcast %sign3A_130 : i32 to vector<1x1xi32>
      %sign3A_132 = arith.cmpi sgt, %broadcast_in_dim3A_126, %sign3A_131 : vector<1x1xi32>
      %sign3A_133 = arith.extui %sign3A_132 : vector<1x1xi1> to vector<1x1xi32>
      %sign3A_134 = arith.constant 0 : i32
      %sign3A_135 = vector.broadcast %sign3A_134 : i32 to vector<1x1xi32>
      %sign3A_136 = arith.cmpi slt, %broadcast_in_dim3A_126, %sign3A_135 : vector<1x1xi32>
      %sign3A_137 = arith.extui %sign3A_136 : vector<1x1xi1> to vector<1x1xi32>
      %sign3A_138 = arith.subi %sign3A_133, %sign3A_137 : vector<1x1xi32>
      %sign3A_139 = arith.constant 0 : i32
      %sign3A_140 = arith.cmpi sgt, %jit3A_127, %sign3A_139 : i32
      %sign3A_141 = arith.extui %sign3A_140 : i1 to i32
      %sign3A_142 = arith.constant 0 : i32
      %sign3A_143 = arith.cmpi slt, %jit3A_127, %sign3A_142 : i32
      %sign3A_144 = arith.extui %sign3A_143 : i1 to i32
      %sign3A_145 = arith.subi %sign3A_141, %sign3A_144 : i32
      %ne3A_146 = vector.broadcast %sign3A_145 : i32 to vector<1x1xi32>
      %ne3A_147 = arith.cmpi ne, %sign3A_138, %ne3A_146 : vector<1x1xi32>
      %rem3A_148 = vector.broadcast %jit3A_127 : i32 to vector<1x1xi32>
      %rem3A_149 = arith.remsi %broadcast_in_dim3A_126, %rem3A_148 : vector<1x1xi32>
      %ne3A_150 = arith.constant 0 : i32
      %ne3A_151 = vector.broadcast %ne3A_150 : i32 to vector<1x1xi32>
      %ne3A_152 = arith.cmpi ne, %rem3A_149, %ne3A_151 : vector<1x1xi32>
      %and3A_153 = arith.andi %ne3A_147, %ne3A_152 : vector<1x1xi1>
      %sub3A_154 = arith.constant 1 : i32
      %sub3A_155 = vector.broadcast %sub3A_154 : i32 to vector<1x1xi32>
      %sub3A_156 = arith.subi %div3A_129, %sub3A_155 : vector<1x1xi32>
      %select_n3A_157 = arith.select %and3A_153, %sub3A_156, %div3A_129 : vector<1x1xi1>, vector<1x1xi32>
      %mul3A_158 = arith.constant 128 : i32
      %mul3A_159 = vector.broadcast %mul3A_158 : i32 to vector<1x1xi32>
      %mul3A_160 = arith.muli %select_n3A_157, %mul3A_159 : vector<1x1xi32>
      %sub3A_161 = arith.subi %broadcast_in_dim3A_126, %mul3A_160 : vector<1x1xi32>
      %eq3A_162 = vector.broadcast %broadcast_in_dim3A_126 : vector<1x1xi32> to vector<98x128xi32>
      %eq3A_163 = arith.cmpi eq, %add3A, %eq3A_162 : vector<98x128xi32>
      %jit3A_164 = arith.constant 0xFF800000 : f32
      %broadcast_in_dim3A_165 = vector.broadcast %jit3A_164 : f32 to vector<98x128xf32>
      %select_n3A_166 = arith.select %eq3A_163, %broadcast_in_dim3A_165, %get3A_113 : vector<98x128xi1>, vector<98x128xf32>
      %swap3A_167 = arith.constant 0 : index
      %swap3A_168 = arith.constant 0 : index
      %swap3A_169 = vector.load %arg1[%swap3A_167, %swap3A_168] : memref<98x128xf32, #tpu.memory_space<vmem>>, vector<98x128xf32>
      tpu.vector_store %arg1[%swap3A_167, %swap3A_168], %select_n3A_166 {strides = array<i32>} : memref<98x128xf32, #tpu.memory_space<vmem>>, vector<98x128xf32>,
      %eq3A_170 = vector.broadcast %sub3A_161 : vector<1x1xi32> to vector<98x128xi32>
      %eq3A_171 = arith.cmpi eq, %iota3A_0, %eq3A_170 : vector<98x128xi32>
      %jit3A_172 = arith.constant 0xFF800000 : f32
      %broadcast_in_dim3A_173 = vector.broadcast %jit3A_172 : f32 to vector<98x128xf32>
      %select_n3A_174 = arith.select %eq3A_171, %select_n3A_166, %broadcast_in_dim3A_173 : vector<98x128xi1>, vector<98x128xf32>
      %reduce_max3A_175 = vector.shape_cast %select_n3A_174 : vector<98x128xf32> to vector<1x98x128xf32>
      %reduce_max3A_176 = arith.constant dense<0xFF800000> : vector<1xf32>
      %reduce_max3A_177 = vector.multi_reduction <maximumf>, %reduce_max3A_175, %reduce_max3A_176 [1, 2] : vector<1x98x128xf32> to vector<1xf32>
      %reduce_max3A_178 = vector.shape_cast %reduce_max3A_177 : vector<1xf32> to vector<1x1x1xf32>
      %reduce_max3A_179 = vector.extract %reduce_max3A_178[0, 0, 0] : f32 from vector<1x1x1xf32>
      %broadcast_in_dim3A_180 = vector.broadcast %reduce_max3A_179 : f32 to vector<1x1xf32>
      %eq3A_181 = vector.broadcast %sub3A_161 : vector<1x1xi32> to vector<1x128xi32>
      %eq3A_182 = arith.cmpi eq, %iota3A_3, %eq3A_181 : vector<1x128xi32>
      %broadcast_in_dim3A_183 = vector.shape_cast %broadcast_in_dim3A_180 : vector<1x1xf32> to vector<1x1xf32>
      %broadcast_in_dim3A_184 = vector.broadcast %broadcast_in_dim3A_183 : vector<1x1xf32> to vector<1x128xf32>
      %select_n3A_185 = arith.select %eq3A_182, %broadcast_in_dim3A_184, %scan3A_78 : vector<1x128xi1>, vector<1x128xf32>
      %broadcast_in_dim3A_186 = vector.shape_cast %broadcast_in_dim3A_126 : vector<1x1xi32> to vector<1x1xi32>
      %broadcast_in_dim3A_187 = vector.broadcast %broadcast_in_dim3A_186 : vector<1x1xi32> to vector<2x128xi32>
      %select_n3A_188 = arith.select %and3A_110, %broadcast_in_dim3A_187, %scan3A_83 : vector<2x128xi1>, vector<2x128xi32>
      %get3A_189 = arith.constant 0 : index
      %get3A_190 = arith.constant 0 : index
      %get3A_191 = vector.load %arg2[%get3A_189, %get3A_190] : memref<98x128xf32, #tpu.memory_space<vmem>>, vector<98x128xf32>
      %reduce_max3A_192 = arith.constant dense<0xFF800000> : vector<1xf32>
      %reduce_max3A_193 = vector.multi_reduction <maximumf>, %scan3A_79, %reduce_max3A_192 [1] : vector<1x128xf32> to vector<1xf32>
      %broadcast_in_dim3A_194 = vector.shape_cast %reduce_max3A_193 : vector<1xf32> to vector<1x1xf32>
      %eq3A_195 = vector.broadcast %broadcast_in_dim3A_194 : vector<1x1xf32> to vector<98x128xf32>
      %eq3A_196 = arith.cmpf oeq, %get3A_191, %eq3A_195 : vector<98x128xf32>
      %jit3A_197 = arith.constant 12544 : i32
      %broadcast_in_dim3A_198 = vector.broadcast %jit3A_197 : i32 to vector<98x128xi32>
      %select_n3A_199 = arith.select %eq3A_196, %add3A, %broadcast_in_dim3A_198 : vector<98x128xi1>, vector<98x128xi32>
      %reduce_min3A_200 = vector.shape_cast %select_n3A_199 : vector<98x128xi32> to vector<1x98x128xi32>
      %reduce_min3A_201 = arith.constant dense<2147483647> : vector<1xi32>
      %reduce_min3A_202 = vector.multi_reduction <minsi>, %reduce_min3A_200, %reduce_min3A_201 [1, 2] : vector<1x98x128xi32> to vector<1xi32>
      %reduce_min3A_203 = vector.shape_cast %reduce_min3A_202 : vector<1xi32> to vector<1x1x1xi32>
      %reduce_min3A_204 = vector.extract %reduce_min3A_203[0, 0, 0] : i32 from vector<1x1x1xi32>
      %broadcast_in_dim3A_205 = vector.broadcast %reduce_min3A_204 : i32 to vector<1x1xi32>
      %jit3A_206 = arith.constant 128 : i32
      %div3A_207 = vector.broadcast %jit3A_206 : i32 to vector<1x1xi32>
      %div3A_208 = arith.divsi %broadcast_in_dim3A_205, %div3A_207 : vector<1x1xi32>
      %sign3A_209 = arith.constant 0 : i32
      %sign3A_210 = vector.broadcast %sign3A_209 : i32 to vector<1x1xi32>
      %sign3A_211 = arith.cmpi sgt, %broadcast_in_dim3A_205, %sign3A_210 : vector<1x1xi32>
      %sign3A_212 = arith.extui %sign3A_211 : vector<1x1xi1> to vector<1x1xi32>
      %sign3A_213 = arith.constant 0 : i32
      %sign3A_214 = vector.broadcast %sign3A_213 : i32 to vector<1x1xi32>
      %sign3A_215 = arith.cmpi slt, %broadcast_in_dim3A_205, %sign3A_214 : vector<1x1xi32>
      %sign3A_216 = arith.extui %sign3A_215 : vector<1x1xi1> to vector<1x1xi32>
      %sign3A_217 = arith.subi %sign3A_212, %sign3A_216 : vector<1x1xi32>
      %sign3A_218 = arith.constant 0 : i32
      %sign3A_219 = arith.cmpi sgt, %jit3A_206, %sign3A_218 : i32
      %sign3A_220 = arith.extui %sign3A_219 : i1 to i32
      %sign3A_221 = arith.constant 0 : i32
      %sign3A_222 = arith.cmpi slt, %jit3A_206, %sign3A_221 : i32
      %sign3A_223 = arith.extui %sign3A_222 : i1 to i32
      %sign3A_224 = arith.subi %sign3A_220, %sign3A_223 : i32
      %ne3A_225 = vector.broadcast %sign3A_224 : i32 to vector<1x1xi32>
      %ne3A_226 = arith.cmpi ne, %sign3A_217, %ne3A_225 : vector<1x1xi32>
      %rem3A_227 = vector.broadcast %jit3A_206 : i32 to vector<1x1xi32>
      %rem3A_228 = arith.remsi %broadcast_in_dim3A_205, %rem3A_227 : vector<1x1xi32>
      %ne3A_229 = arith.constant 0 : i32
      %ne3A_230 = vector.broadcast %ne3A_229 : i32 to vector<1x1xi32>
      %ne3A_231 = arith.cmpi ne, %rem3A_228, %ne3A_230 : vector<1x1xi32>
      %and3A_232 = arith.andi %ne3A_226, %ne3A_231 : vector<1x1xi1>
      %sub3A_233 = arith.constant 1 : i32
      %sub3A_234 = vector.broadcast %sub3A_233 : i32 to vector<1x1xi32>
      %sub3A_235 = arith.subi %div3A_208, %sub3A_234 : vector<1x1xi32>
      %select_n3A_236 = arith.select %and3A_232, %sub3A_235, %div3A_208 : vector<1x1xi1>, vector<1x1xi32>
      %mul3A_237 = arith.constant 128 : i32
      %mul3A_238 = vector.broadcast %mul3A_237 : i32 to vector<1x1xi32>
      %mul3A_239 = arith.muli %select_n3A_236, %mul3A_238 : vector<1x1xi32>
      %sub3A_240 = arith.subi %broadcast_in_dim3A_205, %mul3A_239 : vector<1x1xi32>
      %eq3A_241 = vector.broadcast %broadcast_in_dim3A_205 : vector<1x1xi32> to vector<98x128xi32>
      %eq3A_242 = arith.cmpi eq, %add3A, %eq3A_241 : vector<98x128xi32>
      %jit3A_243 = arith.constant 0xFF800000 : f32
      %broadcast_in_dim3A_244 = vector.broadcast %jit3A_243 : f32 to vector<98x128xf32>
      %select_n3A_245 = arith.select %eq3A_242, %broadcast_in_dim3A_244, %get3A_191 : vector<98x128xi1>, vector<98x128xf32>
      %swap3A_246 = arith.constant 0 : index
      %swap3A_247 = arith.constant 0 : index
      %swap3A_248 = vector.load %arg2[%swap3A_246, %swap3A_247] : memref<98x128xf32, #tpu.memory_space<vmem>>, vector<98x128xf32>
      tpu.vector_store %arg2[%swap3A_246, %swap3A_247], %select_n3A_245 {strides = array<i32>} : memref<98x128xf32, #tpu.memory_space<vmem>>, vector<98x128xf32>,
      %eq3A_249 = vector.broadcast %sub3A_240 : vector<1x1xi32> to vector<98x128xi32>
      %eq3A_250 = arith.cmpi eq, %iota3A_0, %eq3A_249 : vector<98x128xi32>
      %jit3A_251 = arith.constant 0xFF800000 : f32
      %broadcast_in_dim3A_252 = vector.broadcast %jit3A_251 : f32 to vector<98x128xf32>
      %select_n3A_253 = arith.select %eq3A_250, %select_n3A_245, %broadcast_in_dim3A_252 : vector<98x128xi1>, vector<98x128xf32>
      %reduce_max3A_254 = vector.shape_cast %select_n3A_253 : vector<98x128xf32> to vector<1x98x128xf32>
      %reduce_max3A_255 = arith.constant dense<0xFF800000> : vector<1xf32>
      %reduce_max3A_256 = vector.multi_reduction <maximumf>, %reduce_max3A_254, %reduce_max3A_255 [1, 2] : vector<1x98x128xf32> to vector<1xf32>
      %reduce_max3A_257 = vector.shape_cast %reduce_max3A_256 : vector<1xf32> to vector<1x1x1xf32>
      %reduce_max3A_258 = vector.extract %reduce_max3A_257[0, 0, 0] : f32 from vector<1x1x1xf32>
      %broadcast_in_dim3A_259 = vector.broadcast %reduce_max3A_258 : f32 to vector<1x1xf32>
      %eq3A_260 = vector.broadcast %sub3A_240 : vector<1x1xi32> to vector<1x128xi32>
      %eq3A_261 = arith.cmpi eq, %iota3A_3, %eq3A_260 : vector<1x128xi32>
      %broadcast_in_dim3A_262 = vector.shape_cast %broadcast_in_dim3A_259 : vector<1x1xf32> to vector<1x1xf32>
      %broadcast_in_dim3A_263 = vector.broadcast %broadcast_in_dim3A_262 : vector<1x1xf32> to vector<1x128xf32>
      %select_n3A_264 = arith.select %eq3A_261, %broadcast_in_dim3A_263, %scan3A_79 : vector<1x128xi1>, vector<1x128xf32>
      %broadcast_in_dim3A_265 = vector.shape_cast %broadcast_in_dim3A_205 : vector<1x1xi32> to vector<1x1xi32>
      %broadcast_in_dim3A_266 = vector.broadcast %broadcast_in_dim3A_265 : vector<1x1xi32> to vector<2x128xi32>
      %select_n3A_267 = arith.select %and3A_110, %broadcast_in_dim3A_266, %scan3A_84 : vector<2x128xi1>, vector<2x128xi32>
      %get3A_268 = arith.constant 0 : index
      %get3A_269 = arith.constant 0 : index
      %get3A_270 = vector.load %arg3[%get3A_268, %get3A_269] : memref<98x128xf32, #tpu.memory_space<vmem>>, vector<98x128xf32>
      %reduce_max3A_271 = arith.constant dense<0xFF800000> : vector<1xf32>
      %reduce_max3A_272 = vector.multi_reduction <maximumf>, %scan3A_80, %reduce_max3A_271 [1] : vector<1x128xf32> to vector<1xf32>
      %broadcast_in_dim3A_273 = vector.shape_cast %reduce_max3A_272 : vector<1xf32> to vector<1x1xf32>
      %eq3A_274 = vector.broadcast %broadcast_in_dim3A_273 : vector<1x1xf32> to vector<98x128xf32>
      %eq3A_275 = arith.cmpf oeq, %get3A_270, %eq3A_274 : vector<98x128xf32>
      %jit3A_276 = arith.constant 12544 : i32
      %broadcast_in_dim3A_277 = vector.broadcast %jit3A_276 : i32 to vector<98x128xi32>
      %select_n3A_278 = arith.select %eq3A_275, %add3A, %broadcast_in_dim3A_277 : vector<98x128xi1>, vector<98x128xi32>
      %reduce_min3A_279 = vector.shape_cast %select_n3A_278 : vector<98x128xi32> to vector<1x98x128xi32>
      %reduce_min3A_280 = arith.constant dense<2147483647> : vector<1xi32>
      %reduce_min3A_281 = vector.multi_reduction <minsi>, %reduce_min3A_279, %reduce_min3A_280 [1, 2] : vector<1x98x128xi32> to vector<1xi32>
      %reduce_min3A_282 = vector.shape_cast %reduce_min3A_281 : vector<1xi32> to vector<1x1x1xi32>
      %reduce_min3A_283 = vector.extract %reduce_min3A_282[0, 0, 0] : i32 from vector<1x1x1xi32>
      %broadcast_in_dim3A_284 = vector.broadcast %reduce_min3A_283 : i32 to vector<1x1xi32>
      %jit3A_285 = arith.constant 128 : i32
      %div3A_286 = vector.broadcast %jit3A_285 : i32 to vector<1x1xi32>
      %div3A_287 = arith.divsi %broadcast_in_dim3A_284, %div3A_286 : vector<1x1xi32>
      %sign3A_288 = arith.constant 0 : i32
      %sign3A_289 = vector.broadcast %sign3A_288 : i32 to vector<1x1xi32>
      %sign3A_290 = arith.cmpi sgt, %broadcast_in_dim3A_284, %sign3A_289 : vector<1x1xi32>
      %sign3A_291 = arith.extui %sign3A_290 : vector<1x1xi1> to vector<1x1xi32>
      %sign3A_292 = arith.constant 0 : i32
      %sign3A_293 = vector.broadcast %sign3A_292 : i32 to vector<1x1xi32>
      %sign3A_294 = arith.cmpi slt, %broadcast_in_dim3A_284, %sign3A_293 : vector<1x1xi32>
      %sign3A_295 = arith.extui %sign3A_294 : vector<1x1xi1> to vector<1x1xi32>
      %sign3A_296 = arith.subi %sign3A_291, %sign3A_295 : vector<1x1xi32>
      %sign3A_297 = arith.constant 0 : i32
      %sign3A_298 = arith.cmpi sgt, %jit3A_285, %sign3A_297 : i32
      %sign3A_299 = arith.extui %sign3A_298 : i1 to i32
      %sign3A_300 = arith.constant 0 : i32
      %sign3A_301 = arith.cmpi slt, %jit3A_285, %sign3A_300 : i32
      %sign3A_302 = arith.extui %sign3A_301 : i1 to i32
      %sign3A_303 = arith.subi %sign3A_299, %sign3A_302 : i32
      %ne3A_304 = vector.broadcast %sign3A_303 : i32 to vector<1x1xi32>
      %ne3A_305 = arith.cmpi ne, %sign3A_296, %ne3A_304 : vector<1x1xi32>
      %rem3A_306 = vector.broadcast %jit3A_285 : i32 to vector<1x1xi32>
      %rem3A_307 = arith.remsi %broadcast_in_dim3A_284, %rem3A_306 : vector<1x1xi32>
      %ne3A_308 = arith.constant 0 : i32
      %ne3A_309 = vector.broadcast %ne3A_308 : i32 to vector<1x1xi32>
      %ne3A_310 = arith.cmpi ne, %rem3A_307, %ne3A_309 : vector<1x1xi32>
      %and3A_311 = arith.andi %ne3A_305, %ne3A_310 : vector<1x1xi1>
      %sub3A_312 = arith.constant 1 : i32
      %sub3A_313 = vector.broadcast %sub3A_312 : i32 to vector<1x1xi32>
      %sub3A_314 = arith.subi %div3A_287, %sub3A_313 : vector<1x1xi32>
      %select_n3A_315 = arith.select %and3A_311, %sub3A_314, %div3A_287 : vector<1x1xi1>, vector<1x1xi32>
      %mul3A_316 = arith.constant 128 : i32
      %mul3A_317 = vector.broadcast %mul3A_316 : i32 to vector<1x1xi32>
      %mul3A_318 = arith.muli %select_n3A_315, %mul3A_317 : vector<1x1xi32>
      %sub3A_319 = arith.subi %broadcast_in_dim3A_284, %mul3A_318 : vector<1x1xi32>
      %eq3A_320 = vector.broadcast %broadcast_in_dim3A_284 : vector<1x1xi32> to vector<98x128xi32>
      %eq3A_321 = arith.cmpi eq, %add3A, %eq3A_320 : vector<98x128xi32>
      %jit3A_322 = arith.constant 0xFF800000 : f32
      %broadcast_in_dim3A_323 = vector.broadcast %jit3A_322 : f32 to vector<98x128xf32>
      %select_n3A_324 = arith.select %eq3A_321, %broadcast_in_dim3A_323, %get3A_270 : vector<98x128xi1>, vector<98x128xf32>
      %swap3A_325 = arith.constant 0 : index
      %swap3A_326 = arith.constant 0 : index
      %swap3A_327 = vector.load %arg3[%swap3A_325, %swap3A_326] : memref<98x128xf32, #tpu.memory_space<vmem>>, vector<98x128xf32>
      tpu.vector_store %arg3[%swap3A_325, %swap3A_326], %select_n3A_324 {strides = array<i32>} : memref<98x128xf32, #tpu.memory_space<vmem>>, vector<98x128xf32>,
      %eq3A_328 = vector.broadcast %sub3A_319 : vector<1x1xi32> to vector<98x128xi32>
      %eq3A_329 = arith.cmpi eq, %iota3A_0, %eq3A_328 : vector<98x128xi32>
      %jit3A_330 = arith.constant 0xFF800000 : f32
      %broadcast_in_dim3A_331 = vector.broadcast %jit3A_330 : f32 to vector<98x128xf32>
      %select_n3A_332 = arith.select %eq3A_329, %select_n3A_324, %broadcast_in_dim3A_331 : vector<98x128xi1>, vector<98x128xf32>
      %reduce_max3A_333 = vector.shape_cast %select_n3A_332 : vector<98x128xf32> to vector<1x98x128xf32>
      %reduce_max3A_334 = arith.constant dense<0xFF800000> : vector<1xf32>
      %reduce_max3A_335 = vector.multi_reduction <maximumf>, %reduce_max3A_333, %reduce_max3A_334 [1, 2] : vector<1x98x128xf32> to vector<1xf32>
      %reduce_max3A_336 = vector.shape_cast %reduce_max3A_335 : vector<1xf32> to vector<1x1x1xf32>
      %reduce_max3A_337 = vector.extract %reduce_max3A_336[0, 0, 0] : f32 from vector<1x1x1xf32>
      %broadcast_in_dim3A_338 = vector.broadcast %reduce_max3A_337 : f32 to vector<1x1xf32>
      %eq3A_339 = vector.broadcast %sub3A_319 : vector<1x1xi32> to vector<1x128xi32>
      %eq3A_340 = arith.cmpi eq, %iota3A_3, %eq3A_339 : vector<1x128xi32>
      %broadcast_in_dim3A_341 = vector.shape_cast %broadcast_in_dim3A_338 : vector<1x1xf32> to vector<1x1xf32>
      %broadcast_in_dim3A_342 = vector.broadcast %broadcast_in_dim3A_341 : vector<1x1xf32> to vector<1x128xf32>
      %select_n3A_343 = arith.select %eq3A_340, %broadcast_in_dim3A_342, %scan3A_80 : vector<1x128xi1>, vector<1x128xf32>
      %broadcast_in_dim3A_344 = vector.shape_cast %broadcast_in_dim3A_284 : vector<1x1xi32> to vector<1x1xi32>
      %broadcast_in_dim3A_345 = vector.broadcast %broadcast_in_dim3A_344 : vector<1x1xi32> to vector<2x128xi32>
      %select_n3A_346 = arith.select %and3A_110, %broadcast_in_dim3A_345, %scan3A_85 : vector<2x128xi1>, vector<2x128xi32>
      %get3A_347 = arith.constant 0 : index
      %get3A_348 = arith.constant 0 : index
      %get3A_349 = vector.load %arg4[%get3A_347, %get3A_348] : memref<98x128xf32, #tpu.memory_space<vmem>>, vector<98x128xf32>
      %reduce_max3A_350 = arith.constant dense<0xFF800000> : vector<1xf32>
      %reduce_max3A_351 = vector.multi_reduction <maximumf>, %scan3A_81, %reduce_max3A_350 [1] : vector<1x128xf32> to vector<1xf32>
      %broadcast_in_dim3A_352 = vector.shape_cast %reduce_max3A_351 : vector<1xf32> to vector<1x1xf32>
      %eq3A_353 = vector.broadcast %broadcast_in_dim3A_352 : vector<1x1xf32> to vector<98x128xf32>
      %eq3A_354 = arith.cmpf oeq, %get3A_349, %eq3A_353 : vector<98x128xf32>
      %jit3A_355 = arith.constant 12544 : i32
      %broadcast_in_dim3A_356 = vector.broadcast %jit3A_355 : i32 to vector<98x128xi32>
      %select_n3A_357 = arith.select %eq3A_354, %add3A, %broadcast_in_dim3A_356 : vector<98x128xi1>, vector<98x128xi32>
      %reduce_min3A_358 = vector.shape_cast %select_n3A_357 : vector<98x128xi32> to vector<1x98x128xi32>
      %reduce_min3A_359 = arith.constant dense<2147483647> : vector<1xi32>
      %reduce_min3A_360 = vector.multi_reduction <minsi>, %reduce_min3A_358, %reduce_min3A_359 [1, 2] : vector<1x98x128xi32> to vector<1xi32>
      %reduce_min3A_361 = vector.shape_cast %reduce_min3A_360 : vector<1xi32> to vector<1x1x1xi32>
      %reduce_min3A_362 = vector.extract %reduce_min3A_361[0, 0, 0] : i32 from vector<1x1x1xi32>
      %broadcast_in_dim3A_363 = vector.broadcast %reduce_min3A_362 : i32 to vector<1x1xi32>
      %jit3A_364 = arith.constant 128 : i32
      %div3A_365 = vector.broadcast %jit3A_364 : i32 to vector<1x1xi32>
      %div3A_366 = arith.divsi %broadcast_in_dim3A_363, %div3A_365 : vector<1x1xi32>
      %sign3A_367 = arith.constant 0 : i32
      %sign3A_368 = vector.broadcast %sign3A_367 : i32 to vector<1x1xi32>
      %sign3A_369 = arith.cmpi sgt, %broadcast_in_dim3A_363, %sign3A_368 : vector<1x1xi32>
      %sign3A_370 = arith.extui %sign3A_369 : vector<1x1xi1> to vector<1x1xi32>
      %sign3A_371 = arith.constant 0 : i32
      %sign3A_372 = vector.broadcast %sign3A_371 : i32 to vector<1x1xi32>
      %sign3A_373 = arith.cmpi slt, %broadcast_in_dim3A_363, %sign3A_372 : vector<1x1xi32>
      %sign3A_374 = arith.extui %sign3A_373 : vector<1x1xi1> to vector<1x1xi32>
      %sign3A_375 = arith.subi %sign3A_370, %sign3A_374 : vector<1x1xi32>
      %sign3A_376 = arith.constant 0 : i32
      %sign3A_377 = arith.cmpi sgt, %jit3A_364, %sign3A_376 : i32
      %sign3A_378 = arith.extui %sign3A_377 : i1 to i32
      %sign3A_379 = arith.constant 0 : i32
      %sign3A_380 = arith.cmpi slt, %jit3A_364, %sign3A_379 : i32
      %sign3A_381 = arith.extui %sign3A_380 : i1 to i32
      %sign3A_382 = arith.subi %sign3A_378, %sign3A_381 : i32
      %ne3A_383 = vector.broadcast %sign3A_382 : i32 to vector<1x1xi32>
      %ne3A_384 = arith.cmpi ne, %sign3A_375, %ne3A_383 : vector<1x1xi32>
      %rem3A_385 = vector.broadcast %jit3A_364 : i32 to vector<1x1xi32>
      %rem3A_386 = arith.remsi %broadcast_in_dim3A_363, %rem3A_385 : vector<1x1xi32>
      %ne3A_387 = arith.constant 0 : i32
      %ne3A_388 = vector.broadcast %ne3A_387 : i32 to vector<1x1xi32>
      %ne3A_389 = arith.cmpi ne, %rem3A_386, %ne3A_388 : vector<1x1xi32>
      %and3A_390 = arith.andi %ne3A_384, %ne3A_389 : vector<1x1xi1>
      %sub3A_391 = arith.constant 1 : i32
      %sub3A_392 = vector.broadcast %sub3A_391 : i32 to vector<1x1xi32>
      %sub3A_393 = arith.subi %div3A_366, %sub3A_392 : vector<1x1xi32>
      %select_n3A_394 = arith.select %and3A_390, %sub3A_393, %div3A_366 : vector<1x1xi1>, vector<1x1xi32>
      %mul3A_395 = arith.constant 128 : i32
      %mul3A_396 = vector.broadcast %mul3A_395 : i32 to vector<1x1xi32>
      %mul3A_397 = arith.muli %select_n3A_394, %mul3A_396 : vector<1x1xi32>
      %sub3A_398 = arith.subi %broadcast_in_dim3A_363, %mul3A_397 : vector<1x1xi32>
      %eq3A_399 = vector.broadcast %broadcast_in_dim3A_363 : vector<1x1xi32> to vector<98x128xi32>
      %eq3A_400 = arith.cmpi eq, %add3A, %eq3A_399 : vector<98x128xi32>
      %jit3A_401 = arith.constant 0xFF800000 : f32
      %broadcast_in_dim3A_402 = vector.broadcast %jit3A_401 : f32 to vector<98x128xf32>
      %select_n3A_403 = arith.select %eq3A_400, %broadcast_in_dim3A_402, %get3A_349 : vector<98x128xi1>, vector<98x128xf32>
      %swap3A_404 = arith.constant 0 : index
      %swap3A_405 = arith.constant 0 : index
      %swap3A_406 = vector.load %arg4[%swap3A_404, %swap3A_405] : memref<98x128xf32, #tpu.memory_space<vmem>>, vector<98x128xf32>
      tpu.vector_store %arg4[%swap3A_404, %swap3A_405], %select_n3A_403 {strides = array<i32>} : memref<98x128xf32, #tpu.memory_space<vmem>>, vector<98x128xf32>,
      %eq3A_407 = vector.broadcast %sub3A_398 : vector<1x1xi32> to vector<98x128xi32>
      %eq3A_408 = arith.cmpi eq, %iota3A_0, %eq3A_407 : vector<98x128xi32>
      %jit3A_409 = arith.constant 0xFF800000 : f32
      %broadcast_in_dim3A_410 = vector.broadcast %jit3A_409 : f32 to vector<98x128xf32>
      %select_n3A_411 = arith.select %eq3A_408, %select_n3A_403, %broadcast_in_dim3A_410 : vector<98x128xi1>, vector<98x128xf32>
      %reduce_max3A_412 = vector.shape_cast %select_n3A_411 : vector<98x128xf32> to vector<1x98x128xf32>
      %reduce_max3A_413 = arith.constant dense<0xFF800000> : vector<1xf32>
      %reduce_max3A_414 = vector.multi_reduction <maximumf>, %reduce_max3A_412, %reduce_max3A_413 [1, 2] : vector<1x98x128xf32> to vector<1xf32>
      %reduce_max3A_415 = vector.shape_cast %reduce_max3A_414 : vector<1xf32> to vector<1x1x1xf32>
      %reduce_max3A_416 = vector.extract %reduce_max3A_415[0, 0, 0] : f32 from vector<1x1x1xf32>
      %broadcast_in_dim3A_417 = vector.broadcast %reduce_max3A_416 : f32 to vector<1x1xf32>
      %eq3A_418 = vector.broadcast %sub3A_398 : vector<1x1xi32> to vector<1x128xi32>
      %eq3A_419 = arith.cmpi eq, %iota3A_3, %eq3A_418 : vector<1x128xi32>
      %broadcast_in_dim3A_420 = vector.shape_cast %broadcast_in_dim3A_417 : vector<1x1xf32> to vector<1x1xf32>
      %broadcast_in_dim3A_421 = vector.broadcast %broadcast_in_dim3A_420 : vector<1x1xf32> to vector<1x128xf32>
      %select_n3A_422 = arith.select %eq3A_419, %broadcast_in_dim3A_421, %scan3A_81 : vector<1x128xi1>, vector<1x128xf32>
      %broadcast_in_dim3A_423 = vector.shape_cast %broadcast_in_dim3A_363 : vector<1x1xi32> to vector<1x1xi32>
      %broadcast_in_dim3A_424 = vector.broadcast %broadcast_in_dim3A_423 : vector<1x1xi32> to vector<2x128xi32>
      %select_n3A_425 = arith.select %and3A_110, %broadcast_in_dim3A_424, %scan3A_86 : vector<2x128xi1>, vector<2x128xi32>
      %get3A_426 = arith.constant 0 : index
      %get3A_427 = arith.constant 0 : index
      %get3A_428 = vector.load %arg5[%get3A_426, %get3A_427] : memref<98x128xf32, #tpu.memory_space<vmem>>, vector<98x128xf32>
      %reduce_max3A_429 = arith.constant dense<0xFF800000> : vector<1xf32>
      %reduce_max3A_430 = vector.multi_reduction <maximumf>, %scan3A_82, %reduce_max3A_429 [1] : vector<1x128xf32> to vector<1xf32>
      %broadcast_in_dim3A_431 = vector.shape_cast %reduce_max3A_430 : vector<1xf32> to vector<1x1xf32>
      %eq3A_432 = vector.broadcast %broadcast_in_dim3A_431 : vector<1x1xf32> to vector<98x128xf32>
      %eq3A_433 = arith.cmpf oeq, %get3A_428, %eq3A_432 : vector<98x128xf32>
      %jit3A_434 = arith.constant 12544 : i32
      %broadcast_in_dim3A_435 = vector.broadcast %jit3A_434 : i32 to vector<98x128xi32>
      %select_n3A_436 = arith.select %eq3A_433, %add3A, %broadcast_in_dim3A_435 : vector<98x128xi1>, vector<98x128xi32>
      %reduce_min3A_437 = vector.shape_cast %select_n3A_436 : vector<98x128xi32> to vector<1x98x128xi32>
      %reduce_min3A_438 = arith.constant dense<2147483647> : vector<1xi32>
      %reduce_min3A_439 = vector.multi_reduction <minsi>, %reduce_min3A_437, %reduce_min3A_438 [1, 2] : vector<1x98x128xi32> to vector<1xi32>
      %reduce_min3A_440 = vector.shape_cast %reduce_min3A_439 : vector<1xi32> to vector<1x1x1xi32>
      %reduce_min3A_441 = vector.extract %reduce_min3A_440[0, 0, 0] : i32 from vector<1x1x1xi32>
      %broadcast_in_dim3A_442 = vector.broadcast %reduce_min3A_441 : i32 to vector<1x1xi32>
      %jit3A_443 = arith.constant 128 : i32
      %div3A_444 = vector.broadcast %jit3A_443 : i32 to vector<1x1xi32>
      %div3A_445 = arith.divsi %broadcast_in_dim3A_442, %div3A_444 : vector<1x1xi32>
      %sign3A_446 = arith.constant 0 : i32
      %sign3A_447 = vector.broadcast %sign3A_446 : i32 to vector<1x1xi32>
      %sign3A_448 = arith.cmpi sgt, %broadcast_in_dim3A_442, %sign3A_447 : vector<1x1xi32>
      %sign3A_449 = arith.extui %sign3A_448 : vector<1x1xi1> to vector<1x1xi32>
      %sign3A_450 = arith.constant 0 : i32
      %sign3A_451 = vector.broadcast %sign3A_450 : i32 to vector<1x1xi32>
      %sign3A_452 = arith.cmpi slt, %broadcast_in_dim3A_442, %sign3A_451 : vector<1x1xi32>
      %sign3A_453 = arith.extui %sign3A_452 : vector<1x1xi1> to vector<1x1xi32>
      %sign3A_454 = arith.subi %sign3A_449, %sign3A_453 : vector<1x1xi32>
      %sign3A_455 = arith.constant 0 : i32
      %sign3A_456 = arith.cmpi sgt, %jit3A_443, %sign3A_455 : i32
      %sign3A_457 = arith.extui %sign3A_456 : i1 to i32
      %sign3A_458 = arith.constant 0 : i32
      %sign3A_459 = arith.cmpi slt, %jit3A_443, %sign3A_458 : i32
      %sign3A_460 = arith.extui %sign3A_459 : i1 to i32
      %sign3A_461 = arith.subi %sign3A_457, %sign3A_460 : i32
      %ne3A_462 = vector.broadcast %sign3A_461 : i32 to vector<1x1xi32>
      %ne3A_463 = arith.cmpi ne, %sign3A_454, %ne3A_462 : vector<1x1xi32>
      %rem3A_464 = vector.broadcast %jit3A_443 : i32 to vector<1x1xi32>
      %rem3A_465 = arith.remsi %broadcast_in_dim3A_442, %rem3A_464 : vector<1x1xi32>
      %ne3A_466 = arith.constant 0 : i32
      %ne3A_467 = vector.broadcast %ne3A_466 : i32 to vector<1x1xi32>
      %ne3A_468 = arith.cmpi ne, %rem3A_465, %ne3A_467 : vector<1x1xi32>
      %and3A_469 = arith.andi %ne3A_463, %ne3A_468 : vector<1x1xi1>
      %sub3A_470 = arith.constant 1 : i32
      %sub3A_471 = vector.broadcast %sub3A_470 : i32 to vector<1x1xi32>
      %sub3A_472 = arith.subi %div3A_445, %sub3A_471 : vector<1x1xi32>
      %select_n3A_473 = arith.select %and3A_469, %sub3A_472, %div3A_445 : vector<1x1xi1>, vector<1x1xi32>
      %mul3A_474 = arith.constant 128 : i32
      %mul3A_475 = vector.broadcast %mul3A_474 : i32 to vector<1x1xi32>
      %mul3A_476 = arith.muli %select_n3A_473, %mul3A_475 : vector<1x1xi32>
      %sub3A_477 = arith.subi %broadcast_in_dim3A_442, %mul3A_476 : vector<1x1xi32>
      %eq3A_478 = vector.broadcast %broadcast_in_dim3A_442 : vector<1x1xi32> to vector<98x128xi32>
      %eq3A_479 = arith.cmpi eq, %add3A, %eq3A_478 : vector<98x128xi32>
      %jit3A_480 = arith.constant 0xFF800000 : f32
      %broadcast_in_dim3A_481 = vector.broadcast %jit3A_480 : f32 to vector<98x128xf32>
      %select_n3A_482 = arith.select %eq3A_479, %broadcast_in_dim3A_481, %get3A_428 : vector<98x128xi1>, vector<98x128xf32>
      %swap3A_483 = arith.constant 0 : index
      %swap3A_484 = arith.constant 0 : index
      %swap3A_485 = vector.load %arg5[%swap3A_483, %swap3A_484] : memref<98x128xf32, #tpu.memory_space<vmem>>, vector<98x128xf32>
      tpu.vector_store %arg5[%swap3A_483, %swap3A_484], %select_n3A_482 {strides = array<i32>} : memref<98x128xf32, #tpu.memory_space<vmem>>, vector<98x128xf32>,
      %eq3A_486 = vector.broadcast %sub3A_477 : vector<1x1xi32> to vector<98x128xi32>
      %eq3A_487 = arith.cmpi eq, %iota3A_0, %eq3A_486 : vector<98x128xi32>
      %jit3A_488 = arith.constant 0xFF800000 : f32
      %broadcast_in_dim3A_489 = vector.broadcast %jit3A_488 : f32 to vector<98x128xf32>
      %select_n3A_490 = arith.select %eq3A_487, %select_n3A_482, %broadcast_in_dim3A_489 : vector<98x128xi1>, vector<98x128xf32>
      %reduce_max3A_491 = vector.shape_cast %select_n3A_490 : vector<98x128xf32> to vector<1x98x128xf32>
      %reduce_max3A_492 = arith.constant dense<0xFF800000> : vector<1xf32>
      %reduce_max3A_493 = vector.multi_reduction <maximumf>, %reduce_max3A_491, %reduce_max3A_492 [1, 2] : vector<1x98x128xf32> to vector<1xf32>
      %reduce_max3A_494 = vector.shape_cast %reduce_max3A_493 : vector<1xf32> to vector<1x1x1xf32>
      %reduce_max3A_495 = vector.extract %reduce_max3A_494[0, 0, 0] : f32 from vector<1x1x1xf32>
      %broadcast_in_dim3A_496 = vector.broadcast %reduce_max3A_495 : f32 to vector<1x1xf32>
      %eq3A_497 = vector.broadcast %sub3A_477 : vector<1x1xi32> to vector<1x128xi32>
      %eq3A_498 = arith.cmpi eq, %iota3A_3, %eq3A_497 : vector<1x128xi32>
      %broadcast_in_dim3A_499 = vector.shape_cast %broadcast_in_dim3A_496 : vector<1x1xf32> to vector<1x1xf32>
      %broadcast_in_dim3A_500 = vector.broadcast %broadcast_in_dim3A_499 : vector<1x1xf32> to vector<1x128xf32>
      %select_n3A_501 = arith.select %eq3A_498, %broadcast_in_dim3A_500, %scan3A_82 : vector<1x128xi1>, vector<1x128xf32>
      %broadcast_in_dim3A_502 = vector.shape_cast %broadcast_in_dim3A_442 : vector<1x1xi32> to vector<1x1xi32>
      %broadcast_in_dim3A_503 = vector.broadcast %broadcast_in_dim3A_502 : vector<1x1xi32> to vector<2x128xi32>
      %select_n3A_504 = arith.select %and3A_110, %broadcast_in_dim3A_503, %scan3A_87 : vector<2x128xi1>, vector<2x128xi32>
      scf.yield %select_n3A_185, %select_n3A_264, %select_n3A_343, %select_n3A_422, %select_n3A_501, %select_n3A_188, %select_n3A_267, %select_n3A_346, %select_n3A_425, %select_n3A_504 : vector<1x128xf32>, vector<1x128xf32>, vector<1x128xf32>, vector<1x128xf32>, vector<1x128xf32>, vector<2x128xi32>, vector<2x128xi32>, vector<2x128xi32>, vector<2x128xi32>, vector<2x128xi32>
    }
    %scan3A_47 = arith.constant 250 : i32
    %swap3A = arith.constant 0 : index
    %swap3A_48 = arith.constant 0 : index
    %swap3A_49 = arith.constant 0 : index
    %swap3A_50 = vector.load %arg6[%swap3A, %swap3A_48, %swap3A_49] : memref<5x2x128xi32, #tpu.memory_space<vmem>>, vector<1x2x128xi32>
    %swap3A_51 = vector.shape_cast %swap3A_50 : vector<1x2x128xi32> to vector<2x128xi32>
    %swap3A_52 = vector.shape_cast %scan3A_46#5 : vector<2x128xi32> to vector<1x2x128xi32>
    tpu.vector_store %arg6[%swap3A, %swap3A_48, %swap3A_49], %swap3A_52 {strides = array<i32>} : memref<5x2x128xi32, #tpu.memory_space<vmem>>, vector<1x2x128xi32>,
    %swap3A_53 = arith.constant 1 : index
    %swap3A_54 = arith.constant 0 : index
    %swap3A_55 = arith.constant 0 : index
    %swap3A_56 = vector.load %arg6[%swap3A_53, %swap3A_54, %swap3A_55] : memref<5x2x128xi32, #tpu.memory_space<vmem>>, vector<1x2x128xi32>
    %swap3A_57 = vector.shape_cast %swap3A_56 : vector<1x2x128xi32> to vector<2x128xi32>
    %swap3A_58 = vector.shape_cast %scan3A_46#6 : vector<2x128xi32> to vector<1x2x128xi32>
    tpu.vector_store %arg6[%swap3A_53, %swap3A_54, %swap3A_55], %swap3A_58 {strides = array<i32>} : memref<5x2x128xi32, #tpu.memory_space<vmem>>, vector<1x2x128xi32>,
    %swap3A_59 = arith.constant 2 : index
    %swap3A_60 = arith.constant 0 : index
    %swap3A_61 = arith.constant 0 : index
    %swap3A_62 = vector.load %arg6[%swap3A_59, %swap3A_60, %swap3A_61] : memref<5x2x128xi32, #tpu.memory_space<vmem>>, vector<1x2x128xi32>
    %swap3A_63 = vector.shape_cast %swap3A_62 : vector<1x2x128xi32> to vector<2x128xi32>
    %swap3A_64 = vector.shape_cast %scan3A_46#7 : vector<2x128xi32> to vector<1x2x128xi32>
    tpu.vector_store %arg6[%swap3A_59, %swap3A_60, %swap3A_61], %swap3A_64 {strides = array<i32>} : memref<5x2x128xi32, #tpu.memory_space<vmem>>, vector<1x2x128xi32>,
    %swap3A_65 = arith.constant 3 : index
    %swap3A_66 = arith.constant 0 : index
    %swap3A_67 = arith.constant 0 : index
    %swap3A_68 = vector.load %arg6[%swap3A_65, %swap3A_66, %swap3A_67] : memref<5x2x128xi32, #tpu.memory_space<vmem>>, vector<1x2x128xi32>
    %swap3A_69 = vector.shape_cast %swap3A_68 : vector<1x2x128xi32> to vector<2x128xi32>
    %swap3A_70 = vector.shape_cast %scan3A_46#8 : vector<2x128xi32> to vector<1x2x128xi32>
    tpu.vector_store %arg6[%swap3A_65, %swap3A_66, %swap3A_67], %swap3A_70 {strides = array<i32>} : memref<5x2x128xi32, #tpu.memory_space<vmem>>, vector<1x2x128xi32>,
    %swap3A_71 = arith.constant 4 : index
    %swap3A_72 = arith.constant 0 : index
    %swap3A_73 = arith.constant 0 : index
    %swap3A_74 = vector.load %arg6[%swap3A_71, %swap3A_72, %swap3A_73] : memref<5x2x128xi32, #tpu.memory_space<vmem>>, vector<1x2x128xi32>
    %swap3A_75 = vector.shape_cast %swap3A_74 : vector<1x2x128xi32> to vector<2x128xi32>
    %swap3A_76 = vector.shape_cast %scan3A_46#9 : vector<2x128xi32> to vector<1x2x128xi32>
    tpu.vector_store %arg6[%swap3A_71, %swap3A_72, %swap3A_73], %swap3A_76 {strides = array<i32>} : memref<5x2x128xi32, #tpu.memory_space<vmem>>, vector<1x2x128xi32>,
    return
  }
  func.func @transform_0(%arg0: i32) -> (i32, i32) {
    %c0_i32 = arith.constant 0 : i32
    %c0_i32_0 = arith.constant 0 : i32
    %c0_i32_1 = arith.constant 0 : i32
    return %c0_i32, %c0_i32_0 : i32, i32
  }
  func.func @transform_1(%arg0: i32) -> (i32, i32) {
    %c0_i32 = arith.constant 0 : i32
    %c0_i32_0 = arith.constant 0 : i32
    %c0_i32_1 = arith.constant 0 : i32
    return %c0_i32, %c0_i32_0 : i32, i32
  }
  func.func @transform_2(%arg0: i32) -> (i32, i32) {
    %c0_i32 = arith.constant 0 : i32
    %c0_i32_0 = arith.constant 0 : i32
    %c0_i32_1 = arith.constant 0 : i32
    return %c0_i32, %c0_i32_0 : i32, i32
  }
  func.func @transform_3(%arg0: i32) -> (i32, i32) {
    %c0_i32 = arith.constant 0 : i32
    %c0_i32_0 = arith.constant 0 : i32
    %c0_i32_1 = arith.constant 0 : i32
    return %c0_i32, %c0_i32_0 : i32, i32
  }
  func.func @transform_4(%arg0: i32) -> (i32, i32) {
    %c0_i32 = arith.constant 0 : i32
    %c0_i32_0 = arith.constant 0 : i32
    %c0_i32_1 = arith.constant 0 : i32
    return %c0_i32, %c0_i32_0 : i32, i32
  }
  func.func @transform_5(%arg0: i32) -> (i32, i32, i32) {
    %c0_i32 = arith.constant 0 : i32
    %c0_i32_0 = arith.constant 0 : i32
    %c0_i32_1 = arith.constant 0 : i32
    %c0_i32_2 = arith.constant 0 : i32
    return %c0_i32, %c0_i32_0, %c0_i32_1 : i32, i32, i32
  }
}

</mosaic_0001>

<sc_bundles>
// kernel: kernel.5.cloned.1.call-start
scs
__scs_entry_jumppad:
0x0: {  	(pc) =	sbr.rel $0x88, $3  }
0x1: {  	(tag) =	ssettag $0x0;
	lr =	simm.s32 $0x1  }
0x2: {  	[smem:$0x3F9F] =	sst lr;
	_ =	strace $0xD0000000  }
0x3: {  	_ = 	snop  }
0x4: {  	_ = 	snop  }
0x5: {  	_ = 	snop  }
0x6: {  	_ = 	snop  }
0x7: {  	_ = 	snop  }
__scs_overlays_trampoline_lowered:
0x8: {  	[smem:$0x3FAE] =	sst s0  }
0x9: {  	[smem:$0x3FAF] =	sst s1  }
0xa: {  	[smem:$0x3FB0] =	sst s2  }
0xb: {  	[smem:$0x3FB1] =	sst s3  }
0xc: {  	[smem:$0x3FB2] =	sst s4  }
0xd: {  	[smem:$0x3FB3] =	sst s5  }
0xe: {  	[smem:$0x3FB4] =	sst s6  }
0xf: {  	[smem:$0x3FB5] =	sst s7  }
0x10: {  	[smem:$0x3FB6] =	sst s8  }
0x11: {  	[smem:$0x3FB7] =	sst s9;
	s0 =	simm.s32 @!p0 $0x0  }
0x12: {  	s1 =	sld [smem:$0x3F9D];
	s0 =	simm.s32 @p0 $0x1  }
0x13: {  	[smem:$0x3FB8] =	sst s0;
	s0 =	simm.s32 @!p1 $0x0  }
0x14: {  	s2 =	sld [smem:$0x3F9C];
	s0 =	simm.s32 @p1 $0x1  }
0x15: {  	[smem:$0x3FB9] =	sst s0;
	s0 =	simm.s32 @!p2 $0x0  }
0x16: {  	s3 =	sld [smem:$0x3FDB];
	s0 =	simm.s32 @p2 $0x1  }
0x17: {  	s4 =	simm.s32 $0x1BF5;
	[smem:$0x3FBB] =	sst s0  }
0x18: {  	s0 =	sld [smem:$0x3F9E];
	_ =	swait.ge [sflag:s4], $0x0  }
0x19: {  	s7 =	sld [smem:$0x3F9F]  }
0x1a: {  	s8 =	sadd.s32 $0xFFFFE003, lr  }
0x1b: {  	s9 =	sadd.s32 $0xFFFFFEF7, lr;
	s5 =	simm.s32 $0xFFFFFFFF;
	p2 =	slt.u32 s8, $0xFFFFF086  }
0x1c: {  	p1 =	slt.u32 s9, $0xF7A;
	s5 =	simm.s32 @!p2 $0x0  }
0x1d: {  	s5 =	simm.s32 @p1 $0x1;
	p0 =	seq.s32 s7, s2  }
0x1e: {  	s7 =	smul.u32 @!p0 $0xF7A, s2;
	p2 =	seq.s32 @!p0 s5, $0x0  }
0x1f: {  	s9 =	smul.u32 $0xF7A, s1;
	s8 =	simm.s32 @!p0 $0x1BF5;
	p2 =	por !p2, p0  }
0x20: {  	[sflag:s8] =	ssyncset.s32 @!p0 $0xFFFFF086;
	s6 =	sadd.s32 @!p0 s3, s7;
	s7 =	simm.s32 @!p0 $0x108  }
0x21: {  	s3 =	sadd.s32 s3, s9;
	s6 =	sadd.s32 @!p0 $0x88, s6;
	s7 =	simm.s32 @p2 $0x1082  }
0x22: {  	[simem:s7], [sflag:s8] =	dma.local @!p0 [hbm:s6], $0xF7A  }
0x23: {  	s9 =	sor.u32 $0xD0000000, s2;
	s6 =	simm.s32 $0x108;
	_ =	swait.ge @!p0 [sflag:s8], $0x0  }
0x24: {  	s3 =	sadd.s32 $0x88, s3;
	s6 =	simm.s32 @!p1 $0x1082;
	[sflag:s4] =	ssyncset.s32 $0xFFFFF086  }
0x25: {  	[simem:s6], [sflag:s4] =	dma.local [hbm:s3], $0xF7A  }
0x26: {  	[smem:$0x3F9F] =	sst s1;
	(tag) =	ssettag s2;
	_ =	strace s9  }
0x27: {  	s1 =	sld [smem:$0x3FAF]  }
0x28: {  	s2 =	sld [smem:$0x3FB0]  }
0x29: {  	s4 =	sld [smem:$0x3FB2]  }
0x2a: {  	p0 =	seq.s32 s5, $0x0;
	s5 =	sld [smem:$0x3FB3]  }
0x2b: {  	s6 =	sld [smem:$0x3FB4]  }
0x2c: {  	s7 =	sld [smem:$0x3FB5]  }
0x2d: {  	s3 =	simm.s32 $0x108;
	s8 =	sld [smem:$0x3FB6]  }
0x2e: {  	s3 =	simm.s32 @!p0 $0x1082;
	s9 =	sld [smem:$0x3FB7]  }
0x2f: {  	lr =	sadd.s32 s0, s3;
	s0 =	sld [smem:$0x3FAE]  }
0x30: {  	s3 =	sld [smem:$0x3FB1]  }
0x31: {  	[smem:$0x3FBA] =	sst s10  }
0x32: {  	s10 =	sld [smem:$0x3FB8];
	_ =	sdelay $0x3  }
0x33: {  	p0 =	seq.s32 s10, $0x1;
	s10 =	sld [smem:$0x3FBA];
	_ =	sdelay $0x3  }
0x34: {  	[smem:$0x3FBA] =	sst s10  }
0x35: {  	s10 =	sld [smem:$0x3FB9];
	_ =	sdelay $0x3  }
0x36: {  	p1 =	seq.s32 s10, $0x1;
	s10 =	sld [smem:$0x3FBA];
	_ =	sdelay $0x3  }
0x37: {  	[smem:$0x3FBA] =	sst s10  }
0x38: {  	s10 =	sld [smem:$0x3FBB]  }
0x39: {  	_ = 	snop;
	(pc) =	sbr.ind lr, $3  }
0x3a: {  	_ = 	snop  }
0x3b: {  	_ = 	snop  }
0x3c: {  	p2 =	seq.s32 s10, $0x1;
	s10 =	sld [smem:$0x3FBA]  }
0x3d: {  	_ =	shalt  }
0x3e: {  	_ =	shalt  }
0x3f: {  	_ =	shalt  }
0x40: {  	_ =	shalt  }
0x41: {  	_ =	shalt  }
0x42: {  	_ =	shalt  }
0x43: {  	_ =	shalt  }
0x44: {  	_ =	shalt  }
0x45: {  	_ =	shalt  }
0x46: {  	_ =	shalt  }
0x47: {  	_ =	shalt  }
0x48: {  	_ =	shalt  }
0x49: {  	_ =	shalt  }
0x4a: {  	_ =	shalt  }
0x4b: {  	_ =	shalt  }
0x4c: {  	_ =	shalt  }
0x4d: {  	_ =	shalt  }
0x4e: {  	_ =	shalt  }
0x4f: {  	_ =	shalt  }
0x50: {  	_ =	shalt  }
0x51: {  	_ =	shalt  }
0x52: {  	_ =	shalt  }
0x53: {  	_ =	shalt  }
0x54: {  	_ =	shalt  }
0x55: {  	_ =	shalt  }
0x56: {  	_ =	shalt  }
0x57: {  	_ =	shalt  }
0x58: {  	_ =	shalt  }
0x59: {  	_ =	shalt  }
0x5a: {  	_ =	shalt  }
0x5b: {  	_ =	shalt  }
0x5c: {  	_ =	shalt  }
0x5d: {  	_ =	shalt  }
0x5e: {  	_ =	shalt  }
0x5f: {  	_ =	shalt  }
0x60: {  	_ =	shalt  }
0x61: {  	_ =	shalt  }
0x62: {  	_ =	shalt  }
0x63: {  	_ =	shalt  }
0x64: {  	_ =	shalt  }
0x65: {  	_ =	shalt  }
0x66: {  	_ =	shalt  }
0x67: {  	_ =	shalt  }
0x68: {  	_ =	shalt  }
0x69: {  	_ =	shalt  }
0x6a: {  	_ =	shalt  }
0x6b: {  	_ =	shalt  }
0x6c: {  	_ =	shalt  }
0x6d: {  	_ =	shalt  }
0x6e: {  	_ =	shalt  }
0x6f: {  	_ =	shalt  }
0x70: {  	_ =	shalt  }
0x71: {  	_ =	shalt  }
0x72: {  	_ =	shalt  }
0x73: {  	_ =	shalt  }
0x74: {  	_ =	shalt  }
0x75: {  	_ =	shalt  }
0x76: {  	_ =	shalt  }
0x77: {  	_ =	shalt  }
0x78: {  	_ =	shalt  }
0x79: {  	_ =	shalt  }
0x7a: {  	_ =	shalt  }
0x7b: {  	_ =	shalt  }
0x7c: {  	_ =	shalt  }
0x7d: {  	_ =	shalt  }
0x7e: {  	_ =	shalt  }
0x7f: {  	_ =	shalt  }
0x80: {  	_ =	shalt  }
0x81: {  	_ =	shalt  }
0x82: {  	_ =	shalt  }
0x83: {  	_ =	shalt  }
0x84: {  	_ =	shalt  }
0x85: {  	_ =	shalt  }
0x86: {  	_ =	shalt  }
0x87: {  	_ =	shalt  }
.Lfunc_end0:
.L_simem_size_0:
called_computation_lowered:
.L_overlay_start_0:
0x88: {  	s2 =	sld [smem:$0x3FD9]  }
0x89: {  	s3 =	sld [smem:$0x3FFE];
	_ =	sdelay $0x1  }
0x8a: {  	s1 =	srdreg.scid  }
0x8b: {  	s0 =	sand.u32 $0x1, s1  }
0x8c: {  	s17 =	sshll.u32 s0, $0xA;
	s2 =	sadd.s32 s3, s2  }
0x8d: {  	s2 =	sadd.s32 s2, s17  }
0x8e: {  	[smem:$0x3FC6] =	sst s2  }
0x8f: {  	_ = 	snop  }
0x90: {  	s2 =	sld [smem:$0x3FD0];
	(tm) =	ssettm $0x1  }
0x91: {  	s18 =	sld [smem:$0x3FFB];
	_ =	sdelay $0x3  }
0x92: {  	_ =	strace s18  }
0x93: {  	s3 =	sld [smem:$0x3FFC];
	_ =	sdelay $0x3  }
0x94: {  	_ =	strace s3  }
0x95: {  	s3 =	sld [smem:$0x3FFD];
	_ =	sdelay $0x3  }
0x96: {  	_ =	strace s3  }
0x97: {  	_ =	strace $0x8FFFFFFF  }
0x98: {  	s19 =	sld [smem:$0x3FDB];
	_ =	sdelay $0x1  }
0x99: {  	s4 =	simm.s32 $_scs_section_size  }
0x9a: {  	s5 =	simm.s32 $_size__tile_overlayer_lowered;
	s6 =	simm.s32 $_tile_overlayer_lowered  }
0x9b: {  	s22 =	simm.s32 $0x1BFF;
	s21 =	sshll.u32 s6, $0x1;
	s3 =	sadd.s32 s4, s19  }
0x9c: {  	s7 =	simm.s32 $0x0;
	s20 =	sshll.u32 s5, $0x1;
	s5 =	sadd.s32 s21, s3  }
0x9d: {  	[timem:s7], [sflag:s22] =	dma.local [hbm:s5], s20  }
0x9e: {  	_ =	swait.ge [sflag:s22], s20  }
0x9f: {  	s4 =	ssub.s32 $0x0, s20;
	[sflag:s22] =	ssyncset.done $0x0  }
0xa0: {  	[sflag:s22] =	ssyncadd.s32 s4;
	_ =	sdelay $0x1  }
0xa1: {  	s23 =	simm.s32 $0x1B8B  }
0xa2: {  	_ =	swait.ge [sflag:s23], $0x1  }
0xa3: {  	[sflag:s23] =	ssyncset.done $0x0  }
0xa4: {  	s25 =	simm.s32 $0x1B8E;
	s24 =	sld [smem:$0x3FFE];
	[sflag:s23] =	ssyncadd.s32 $0xFFFFFFFF  }
0xa5: {  	s26 =	simm.s32 $execute0_lowered;
	[smem:$0x3FD2] =	sst s25  }
0xa6: {  	s5 =	sshll.u32 s26, $0x1;
	_ =	strace $0x80000046;
	[dreg:$0x1] =	wrdreg $0xFFFFFFFF  }
0xa7: {  	s28 =	simm.s32 $_size_execute0_lowered;
	s3 =	sadd.s32 s3, s5;
	[dreg:$0x0] =	wrdreg $0x0  }
0xa8: {  	s5 =	sshll.u32 s28, $0x1;
	[dreg:$0x2] =	wrdreg s3  }
0xa9: {  	[dreg:$0x3] =	wrdreg s5  }
0xaa: {  	[dreg:$0x4] =	wrdreg $0xC0  }
0xab: {  	_ =	task [dreg:s7], $0x5FFFF  }
0xac: {  	[dreg:$0x1] =	wrdreg $0xFFFFFFFF  }
0xad: {  	[dreg:$0x0] =	wrdreg $0x60  }
0xae: {  	[dreg:$0x2] =	wrdreg s24  }
0xaf: {  	[dreg:$0x3] =	wrdreg s2  }
0xb0: {  	[dreg:$0x4] =	wrdreg $0x9  }
0xb1: {  	_ =	task.clear_ibuf [dreg:s7], $0x5FFFF;
	_ =	strace $0x90000046  }
0xb2: {  	s29 =	simm.s32 $0x9;
	_ =	strace $0x80000048  }
0xb3: {  	_ =	swait.ge [sflag:s29], $0x1  }
0xb4: {  	[sflag:s29] =	ssyncadd.s32 $0xFFFFFFFF  }
0xb5: {  	_ =	strace $0x90000048  }
0xb6: {  	_ =	sfence  }
0xb7: {  	s30 =	sld [smem:$0x0];
	_ =	sdelay $0x2  }
0xb8: {  	s31 =	sshll.u32 s1, $0xD;
	s1 =	sshrl.u32 s1, $0x2  }
0xb9: {  	s3 =	sand.u32 $0x4000, s31;
	s1 =	sadd.s32 s1, s30  }
0xba: {  	s0 =	sor.u32 s3, s0;
	s1 =	sshll.u32 s1, $0x11  }
0xbb: {  	s0 =	sor.u32 s1, s0  }
0xbc: {  	s0 =	sadd.s32 $0x8F2B, s0  }
0xbd: {  	[sflag:s0] =	ssyncadd.remote.s32 $0x1  }
0xbe: {  	_ =	sfence.sel $0xFFFF  }
0xbf: {  	[dreg:$0x0] =	wrdreg $0xFFFFFFFF;
	(pc) =	sbr.abs _section_cstart, $3  }
0xc0: {  	[dreg:$0x1] =	wrdreg $0xFFFFFFFF  }
0xc1: {  	_ =	task.clear_ibuf [dreg:s7], $0x2FFFF;
	_ =	strace $0x9FFFFFFF  }
0xc2: {  	(tm) =	ssettm $0x7FFFFFFF  }
0xc3: {  	_ =	shalt  }
tec
execute0_lowered:
.L_overlay_start_1:
0x0: {  	(tag) =	ssettag $0x1  }
0x1: {  	s1 =	srdreg.scid;
	s0 =	stileid.u32  }
0x2: {  	s6 =	sand.u32 $0x1, s1;
	s30 =	sshll.u32 s0, $0x1  }
0x3: {  	s2 =	rddreg [dreg:$0x0];
	s9 =	sor.u32 s6, s30  }
0x4: {  	s10 =	rddreg [dreg:$0x1];
	s3 =	simm.s32 $0x0;
	s4 =	smul.u32 $0x5, s9  }
0x5: {  	[smem:$0x7FF] =	sst s3  }
0x6: {  	s1 =	rddreg [dreg:$0x2];
	_ =	strace $0x80000047;
	s4 =	sadd.s32 s4, s2  }
0x7: {  	s11 =	ssub.s32 $0x2, s6;
	s5 =	sadd.s32 $0x31000, s4;
	s4 =	simm.s32 $0x2  }
0x8: {  	[tilespmem:s3], [sflag:$0x2] =	stream.linear.gather [hbm4b:s5+s3], $0x28, $0x38;
	[tilespmem:$0x1480] =	vst v63  }
0x9: {  	s7 =	simm.s32 $0x80;
	s12 =	sshrl.u32 s11, $0x1;
	_ =	swait.ge [sflag:s4], $0x28  }
0xa: {  	s8 =	simm.s32 $0x1;
	s11 =	ssub.s32 s11, s12;
	[sflag:s4] =	ssyncset.done $0x0  }
0xb: {  	s6 =	simm.s32 $0x28;
	s31 =	smax.u32 s11, $0x1;
	[sflag:s4] =	ssyncadd.s32 $0xFFFFFFD8  }
0xc: {  	[tilespmem:s7], [sflag:$0x1] =	stream.indirect.gather [hbm4b:s2+s6], $0x80, s3, s6, $0xb8;
	[tilespmem:$0x1480] =	vst v63  }
0xd: {  	s9 =	smul.u32 $0x280, s9;
	p0 =	sne.s32 s31, $0x1;
	_ =	swait.ge [sflag:s8], $0x1400  }
.Ltmp0:
0xe: {  	[sflag:s8] =	ssyncset.done $0x0;
	(pc) =	sbr.rel @!p0 .LBB2_2-.Ltmp0, $4  }
0xf: {  	s9 =	sadd.s32 s10, s9;
	[sflag:s8] =	ssyncadd.s32 $0xFFFFEC00  }
0x10: {  	[hbm4b:s9+s3] =	stream.linear.scatter [tilespmem:s7], [sflag:$0x2], $0x1400, $0x38;
	[tilespmem:$0x1480] =	vst v63  }
0x11: {  	_ =	swait.ge [sflag:s4], $0x1400  }
0x12: {  	s10 =	sadd.s32 $0xFFFFFFFF, s31;
	[sflag:s4] =	ssyncset.done $0x0  }
.LBB2_1:
0x13: {  	p0 =	sne.s32 s10, $0x1;
	s10 =	sadd.s32 $0xFFFFFFFF, s10;
	[sflag:s4] =	ssyncadd.s32 $0xFFFFEC00  }
0x14: {  	[tilespmem:s3], [sflag:$0x2] =	stream.linear.gather [hbm4b:s5+s3], $0x28, $0x38;
	[tilespmem:$0x1480] =	vst v63  }
0x15: {  	_ =	swait.ge [sflag:s4], $0x28  }
0x16: {  	[sflag:s4] =	ssyncset.done $0x0  }
0x17: {  	[sflag:s4] =	ssyncadd.s32 $0xFFFFFFD8  }
0x18: {  	[tilespmem:s7], [sflag:$0x1] =	stream.indirect.gather [hbm4b:s2+s6], $0x80, s3, s6, $0xb8;
	[tilespmem:$0x1480] =	vst v63  }
0x19: {  	_ =	swait.ge [sflag:s8], $0x1400  }
.Ltmp1:
0x1a: {  	[sflag:s8] =	ssyncset.done $0x0;
	(pc) =	sbr.rel @p0 .LBB2_1-.Ltmp1, $4  }
0x1b: {  	[sflag:s8] =	ssyncadd.s32 $0xFFFFEC00  }
0x1c: {  	[hbm4b:s9+s3] =	stream.linear.scatter [tilespmem:s7], [sflag:$0x2], $0x1400, $0x38;
	[tilespmem:$0x1480] =	vst v63  }
0x1d: {  	_ =	swait.ge [sflag:s4], $0x1400  }
0x1e: {  	[sflag:s4] =	ssyncset.done $0x0  }
.LBB2_2:
0x1f: {  	[sflag:s4] =	ssyncadd.s32 $0xFFFFEC00  }
0x20: {  	_ =	sfence.sel $0x180000  }
0x21: {  	[bflag:$0x0] =	sbarrier.arrive $0xFFFF  }
0x22: {  	p0 =	sne.s32 s0, $0x0;
	_ =	strace $0x90000047  }
0x23: {  	s0 =	sadd.s32 @!p0 $0x100000, s1;
	[bflag:$0x2] =	sbarrier.arrive $0xFFFF  }
0x24: {  	[sflag:s0] =	ssyncadd.tile.s32 @!p0 $0x1;
	_ =	shalt  }
.Lfunc_end2:
_tile_overlayer_lowered:
.L_overlay_start_2:
0x25: {  	(tag) =	ssettag $0x2  }
0x26: {  	s0 =	rddreg [dreg:$0x0];
	s2 =	stileid.u32  }
0x27: {  	s1 =	rddreg [dreg:$0x1];
	p0 =	sne.s32 s2, $0x0  }
0x28: {  	s3 =	rddreg [dreg:$0x2];
	[bflag:$0x3] =	sbarrier.arrive $0xFFFF;
	s2 =	simm.s32 @!p0 $0x1C02  }
0x29: {  	[timem:s3], [sflag:s2] =	dma.local @!p0 [hbm:s0], s1  }
0x2a: {  	s0 =	simm.s32 @!p0 $0x2  }
0x2b: {  	_ =	swait.ge @!p0 [sflag:s0], s1  }
0x2c: {  	s1 =	ssub.s32 @!p0 $0x0, s1;
	[sflag:s0] =	ssyncset.done @!p0 $0x0  }
0x2d: {  	[sflag:s0] =	ssyncadd.s32 @!p0 s1  }
0x2e: {  	[bflag:$0x3] =	sbarrier.arrive $0xFFFF  }
0x2f: {  	_ =	shalt  }

</sc_bundles>
